<compile_context>
chip_gen: v7x
topology: tpu7x:2x2x1
jax: 0.10.2.dev20260603
libtpu: 0.0.44.dev20260713+nightly
codegen_flags: <defaults>
</compile_context>

<pallas_src>
import functools
import math

import jax
import jax.numpy as jnp
from jax import lax
from jax.experimental import pallas as pl
from jax.experimental.pallas import tpu as pltpu
from jax.experimental.pallas import tpu_sc as plsc

DIM = 128
HID = 256
B = 4
N = 65536
T = 10
FH = 4
NHASH = T * FH
ND = 8
NS = 4
NSAMP = ND * NS
K = 5

PACK = 4
RP = 512
BN = RP * PACK
NBLK = N // BN
BIG = 1.0e9
ENC = 131072.0


def _wbd_body(projM, refc, dvte, scr, offr, out):
    sT = refc[...] + (dvte[...] * scr[...]) * offr[...]
    ps = jnp.dot(projM[...], sT, preferred_element_type=jnp.float32)
    wm = (1.0 - 2.0 * (ps > 0).astype(jnp.float32)) * ENC
    out[...] = jnp.zeros((PACK * NHASH, DIM), jnp.float32)
    for c in range(PACK):
        out[c * NHASH:(c + 1) * NHASH, c * NSAMP:(c + 1) * NSAMP] = wm


def _wbd_call(lsh_proj, refc, dvte, scr, offr):
    return pl.pallas_call(
        _wbd_body,
        in_specs=[
            pl.BlockSpec((NHASH, DIM), lambda: (0, 0)),
            pl.BlockSpec((DIM, 1), lambda: (0, 0)),
            pl.BlockSpec((DIM, NSAMP), lambda: (0, 0)),
            pl.BlockSpec((1, NSAMP), lambda: (0, 0)),
            pl.BlockSpec((1, NSAMP), lambda: (0, 0)),
        ],
        out_specs=pl.BlockSpec((PACK * NHASH, DIM), lambda: (0, 0)),
        out_shape=jax.ShapeDtypeStruct((PACK * NHASH, DIM), jnp.float32),
    )(lsh_proj, refc, dvte, scr, offr)


def _topk_body(pts, projT, wbd, off, out, run_s):
    j = pl.program_id(1)

    @pl.when(j == 0)
    def _():
        run_s[...] = jnp.full((8, DIM), BIG, jnp.float32)

    x4 = pts[0]
    proj4 = jnp.dot(x4, projT[...], preferred_element_type=jnp.float32)
    ph4 = (proj4 > 0).astype(jnp.bfloat16)
    g4 = jnp.dot(ph4, wbd[...].astype(jnp.bfloat16),
                 preferred_element_type=jnp.float32)
    keys = g4 + (off[...] + jnp.float32(BN) * j.astype(jnp.float32))

    runv = run_s[...]
    prev = jnp.full((1, DIM), -1.0, jnp.float32)
    for k in range(K):
        t = jnp.where(keys > prev, keys, BIG)
        r = RP
        while r > 8:
            half = r // 2
            t = jnp.minimum(t[:half], t[half:r])
            r = half
        t = jnp.minimum(t, jnp.where(runv > prev, runv, BIG))
        m = jnp.min(t, axis=0, keepdims=True)
        run_s[k:k + 1, :] = m
        prev = m

    @pl.when(j == NBLK - 1)
    def _():
        out[0] = run_s[...]


def _merge_body(rk, out):
    b = pl.program_id(0)
    rv = rk[0]
    prev = jnp.full((1, DIM), -1.0, jnp.float32)
    rows = []
    for k in range(K):
        t = jnp.where(rv > prev, rv, BIG)
        m = jnp.min(t, axis=0, keepdims=True)
        m = jnp.minimum(m, jnp.roll(m, NSAMP, axis=1))
        m = jnp.minimum(m, jnp.roll(m, 2 * NSAMP, axis=1))
        rows.append(m)
        prev = m
    allm = jnp.concatenate(rows + rows[:3], axis=0)
    idxf = allm - jnp.floor(allm / ENC) * ENC
    base = (b * N).astype(jnp.float32)
    rowsel = lax.broadcasted_iota(jnp.int32, (8, DIM), 0) < K
    flat = jnp.where(rowsel, idxf + base, base)
    out[0] = flat[:, :NSAMP].astype(jnp.int32)


def _merge_call(runkeys):
    return pl.pallas_call(
        _merge_body,
        grid=(B,),
        in_specs=[pl.BlockSpec((1, 8, DIM), lambda b: (b, 0, 0))],
        out_specs=pl.BlockSpec((1, 8, NSAMP), lambda b: (b, 0, 0)),
        out_shape=jax.ShapeDtypeStruct((B, 8, NSAMP), jnp.int32),
    )(runkeys)


def _topk_call(points4, p4, wbd, off):
    return pl.pallas_call(
        _topk_body,
        grid=(B, NBLK),
        in_specs=[
            pl.BlockSpec((1, RP, PACK * DIM), lambda b, j: (b, j, 0)),
            pl.BlockSpec((PACK * DIM, PACK * NHASH), lambda b, j: (0, 0)),
            pl.BlockSpec((PACK * NHASH, DIM), lambda b, j: (0, 0)),
            pl.BlockSpec((RP, DIM), lambda b, j: (0, 0)),
        ],
        out_specs=pl.BlockSpec((1, 8, DIM), lambda b, j: (b, 0, 0)),
        out_shape=jax.ShapeDtypeStruct((B, 8, DIM), jnp.float32),
        scratch_shapes=[
            pltpu.VMEM((8, DIM), jnp.float32),
        ],
    )(points4, p4, wbd, off)


_NROWS = B * 8 * NSAMP


def _gather(table, idx_flat):
    info = plsc.get_sparse_core_info()
    nc, ns = info.num_cores, info.num_subcores
    nw = nc * ns
    per_w = _NROWS // nw
    mesh = plsc.VectorSubcoreMesh(core_axis_name="c", subcore_axis_name="s")

    @functools.partial(
        pl.kernel,
        mesh=mesh,
        out_type=jax.ShapeDtypeStruct((_NROWS, DIM), jnp.float32),
        scratch_types=[
            pltpu.VMEM((per_w,), jnp.int32),
            pltpu.VMEM((per_w, DIM), jnp.float32),
            pltpu.SemaphoreType.DMA,
        ],
    )
    def gk(table_hbm, idx_hbm, out_hbm, idx_v, rows_v, sem):
        wid = lax.axis_index("s") * nc + lax.axis_index("c")
        base = wid * per_w
        pltpu.sync_copy(idx_hbm.at[pl.ds(base, per_w)], idx_v)
        pltpu.async_copy(table_hbm.at[idx_v], rows_v, sem).wait()
        pltpu.sync_copy(rows_v, out_hbm.at[pl.ds(base, per_w)])

    return gk(table, idx_flat)


_INV_SQRT_H = 1.0 / math.sqrt(HID)


def _attn_body(nb, refr, dvr, offT, scl, qWT, qb, kWT, kb, vWT, vb, oWT, ob,
               out, attn):
    blocks = []
    for d in range(ND):
        row = dvr[d:d + 1, :] * scl[d:d + 1, 0:1]
        blocks.append(refr[...] + row * offT[:, d:d + 1])
    smp = jnp.concatenate(blocks, axis=0)

    q = jnp.dot(smp, qWT[...], preferred_element_type=jnp.float32) + qb[...]

    slabs = [nb[0, k * NSAMP:(k + 1) * NSAMP, :] for k in range(K)]
    logits = []
    for k in range(K):
        kk = jnp.dot(slabs[k], kWT[...],
                     preferred_element_type=jnp.float32) + kb[...]
        logits.append(jnp.sum(q * kk, axis=1, keepdims=True) * _INV_SQRT_H)

    mx = logits[0]
    for k in range(1, K):
        mx = jnp.maximum(mx, logits[k])
    es = [jnp.exp(l - mx) for l in logits]
    z = es[0]
    for k in range(1, K):
        z = z + es[k]
    ws = [e / z for e in es]

    att = jnp.zeros((NSAMP, HID), jnp.float32)
    for k in range(K):
        vk = jnp.dot(slabs[k], vWT[...],
                     preferred_element_type=jnp.float32) + vb[...]
        att = att + ws[k] * vk

    outr = jnp.dot(att, oWT[...], preferred_element_type=jnp.float32) + ob[...]
    mean = jnp.mean(outr, axis=0, keepdims=True)
    out[0] = jnp.broadcast_to(mean, (8, DIM))

    lane = lax.broadcasted_iota(jnp.int32, (NSAMP, 8), 1)
    acc = jnp.zeros((NSAMP, 8), jnp.float32)
    for k in range(K):
        acc = jnp.where(lane == k, jnp.broadcast_to(ws[k], (NSAMP, 8)), acc)
    attn[0] = acc


def _attn_call(nbrs, refr, dvr, offT, scl, qWT, qb2, kWT, kb2, vWT, vb2,
               oWT, ob2):
    def full(shape):
        return pl.BlockSpec(shape, lambda *_: tuple(0 for _ in shape))
    return pl.pallas_call(
        _attn_body,
        grid=(B,),
        in_specs=[
            pl.BlockSpec((1, 8 * NSAMP, DIM), lambda b: (b, 0, 0)),
            full((1, DIM)),
            full((ND, DIM)),
            full((NS, ND)),
            full((ND, 1)),
            full((DIM, HID)),
            full((1, HID)),
            full((DIM, HID)),
            full((1, HID)),
            full((DIM, HID)),
            full((1, HID)),
            full((HID, DIM)),
            full((1, DIM)),
        ],
        out_specs=[
            pl.BlockSpec((1, 8, DIM), lambda b: (b, 0, 0)),
            pl.BlockSpec((1, NSAMP, 8), lambda b: (b, 0, 0)),
        ],
        out_shape=[
            jax.ShapeDtypeStruct((B, 8, DIM), jnp.float32),
            jax.ShapeDtypeStruct((B, NSAMP, 8), jnp.float32),
        ],
    )(nbrs, refr, dvr, offT, scl, qWT, qb2, kWT, kb2, vWT, vb2, oWT, ob2)


def kernel(points, ref_point, direction_vectors, sampling_offsets,
           direction_scales, lsh_proj, qW, qb, kW, kb, vW, vb, oW, ob):
    lsh_projT = lsh_proj.T
    refc = ref_point[:, None]
    refr = ref_point[None, :]
    dvte = jnp.repeat(direction_vectors.T, NS, axis=1)
    scr = jnp.repeat(direction_scales, NS)[None, :]
    offr = sampling_offsets.reshape(1, NSAMP)
    offT = sampling_offsets.T
    scl = direction_scales[:, None]

    points4 = points.reshape(B, N // PACK, PACK * DIM)
    p4 = jnp.kron(jnp.eye(PACK, dtype=jnp.float32), lsh_projT)
    sub = lax.broadcasted_iota(jnp.int32, (RP, DIM), 0)
    lane = lax.broadcasted_iota(jnp.int32, (RP, DIM), 1)
    off = (sub * PACK + lane // NSAMP).astype(jnp.float32) + 40.0 * ENC
    wbd = _wbd_call(lsh_proj, refc, dvte, scr, offr)
    runkeys = _topk_call(points4, p4, wbd, off)
    idx = _merge_call(runkeys)
    nbrs = _gather(points.reshape(B * N, DIM), idx.reshape(_NROWS))
    out, attnp = _attn_call(
        nbrs.reshape(B, 8 * NSAMP, DIM), refr, direction_vectors, offT, scl,
        qW.T, qb[None, :], kW.T, kb[None, :], vW.T, vb[None, :],
        oW.T, ob[None, :])
    return out[:, 0, :], attnp[:, :, :K][:, None, :, :]

# --- scband reference (transcript-rebuilt; emitter-appended) ---
"""Pipeline reference for scband-hi-dim-query-14216341749767 (READ-ONLY COPY).

The authoritative reference and input builder live on the scoring server;
editing this copy changes nothing except your own understanding.
"""

import jax, jax.numpy as jnp
import numpy as np
import math

DIM = 128
HID = 256
B = 4
N = 65536
T = 10      # lsh num_tables
FH = 4      # lsh num_hash_functions
ND = 8      # sampler num_directions
NS = 4      # sampler num_samples_per_direction
K = 5       # hardcoded k in HiDimQuery.forward


def setup_inputs(seed: int = 0) -> dict:
    key = jax.random.key(seed)
    ks = jax.random.split(key, 16)
    points = jax.random.normal(ks[0], (B, N, DIM), dtype=jnp.float32)
    ref_point = jax.random.normal(ks[1], (DIM,), dtype=jnp.float32)
    dv = jax.random.normal(ks[2], (ND, DIM), dtype=jnp.float32)
    dv = dv / jnp.linalg.norm(dv, axis=1, keepdims=True)  # F.normalize at init
    sampling_offsets = jax.random.normal(ks[3], (ND, NS), dtype=jnp.float32)
    direction_scales = jnp.ones((ND,), dtype=jnp.float32)
    lsh_proj = jax.random.normal(ks[4], (T * FH, DIM), dtype=jnp.float32)
    s_in = 1.0 / np.sqrt(DIM)
    s_h = 1.0 / np.sqrt(HID)
    qW = jax.random.uniform(ks[5], (HID, DIM), jnp.float32, -s_in, s_in)
    qb = jax.random.uniform(ks[6], (HID,), jnp.float32, -s_in, s_in)
    kW = jax.random.uniform(ks[7], (HID, DIM), jnp.float32, -s_in, s_in)
    kb = jax.random.uniform(ks[8], (HID,), jnp.float32, -s_in, s_in)
    vW = jax.random.uniform(ks[9], (HID, DIM), jnp.float32, -s_in, s_in)
    vb = jax.random.uniform(ks[10], (HID,), jnp.float32, -s_in, s_in)
    oW = jax.random.uniform(ks[11], (DIM, HID), jnp.float32, -s_h, s_h)
    ob = jax.random.uniform(ks[12], (DIM,), jnp.float32, -s_h, s_h)
    return {
        'points': points, 'ref_point': ref_point,
        'direction_vectors': dv, 'sampling_offsets': sampling_offsets,
        'direction_scales': direction_scales, 'lsh_proj': lsh_proj,
        'qW': qW, 'qb': qb, 'kW': kW, 'kb': kb, 'vW': vW, 'vb': vb,
        'oW': oW, 'ob': ob,
    }


def reference(points, ref_point, direction_vectors, sampling_offsets,
              direction_scales, lsh_proj, qW, qb, kW, kb, vW, vb, oW, ob):
    Bsz = points.shape[0]

    def _hash(x):
        # LSHTable.hash: project then binarize
        proj = x @ lsh_proj.T  # [B, n, T*FH]
        return (proj > 0).astype(jnp.float32)

    # AdaptiveDirectionSampling: samples ordered (direction-major, offset-minor)
    scaled = direction_vectors * direction_scales[:, None]          # [ND, D]
    samples = ref_point[None, None, :] + scaled[:, None, :] * sampling_offsets[:, :, None]  # [ND, NS, D]
    samples = samples.reshape(ND * NS, DIM)                          # [32, D]
    sample_points = jnp.broadcast_to(samples[None], (Bsz, ND * NS, DIM))

    # LSHTable.query
    qh = _hash(sample_points)   # [B, 32, 40]
    ph = _hash(points)          # [B, N, 40]
    # L1 (cdist p=1) distance between {0,1} vectors equals exactly
    # sum(q) + sum(p) - 2 * <q, p>  (hamming identity; mathematically identical)
    qs = jnp.sum(qh, axis=-1)
    ps = jnp.sum(ph, axis=-1)
    dist = qs[:, :, None] + ps[:, None, :] - 2.0 * jnp.einsum('bqf,bpf->bqp', qh, ph)
    _negvals, indices = jax.lax.top_k(-dist, K)  # smallest-k distances

    # gather neighbors: points[b, indices[b, s, k]]
    neighbors = jax.vmap(lambda p, idx: p[idx])(points, indices)  # [B, 32, K, D]

    queries = sample_points @ qW.T + qb   # [B, 32, H]
    keys = neighbors @ kW.T + kb          # [B, 32, K, H]
    values = neighbors @ vW.T + vb        # [B, 32, K, H]

    attention = jnp.einsum('bsh,bskh->bsk', queries, keys)[:, :, None, :]  # [B,32,1,K]
    attention = attention / math.sqrt(HID)
    attention_weights = jax.nn.softmax(attention, axis=-1)                 # [B,32,1,K]

    attended = jnp.einsum('bsok,bskh->bsoh', attention_weights, values)[:, :, 0, :]  # [B,32,H]
    output = attended @ oW.T + ob          # [B, 32, D]
    output = output.mean(axis=1)           # [B, D]

    attn_out = attention_weights[:, :, 0, :][:, None, :, :]  # [B, 1, 32, K]
    return output, attn_out

if __name__ == "__main__":
    import jax
    _d = setup_inputs()
    print(jax.jit(kernel)(*tuple(_d.values())))

</pallas_src>

<mosaic_0001>
#map = affine_map<(d0, d1) -> (0, 0)>
#map1 = affine_map<(d0, d1) -> (0)>
module attributes {stable_mosaic.version = 14 : i64} {
  func.func @gk(%arg0: i32, %arg1: i32, %arg2: memref<262144x128xf32, #tpu.memory_space<hbm>>, %arg3: memref<1024xi32, #tpu.memory_space<hbm>>, %arg4: memref<1024x128xf32, #tpu.memory_space<hbm>>, %arg5: memref<32xi32, #tpu.memory_space<vmem>>, %arg6: memref<32x128xf32, #tpu.memory_space<vmem>>, %arg7: memref<!tpu.dma_semaphore, #tpu.memory_space<semaphore_mem>>) attributes {dimension_semantics = [#tpu.dimension_semantics<core_parallel>, #tpu.dimension_semantics<subcore_parallel>], iteration_bounds = array<i64: 2, 16>, scalar_prefetch = 0 : i64, scratch_operands = 3 : i64, tpu.core_type = #tpu.core_type<sc_vector_subcore>, window_params = [{transform_indices = #map}, {transform_indices = #map1}, {transform_indices = #map}]} {
    %mul3A = arith.constant 2 : i32
    %mul3A_0 = arith.muli %arg1, %mul3A : i32
    %add3A = arith.addi %mul3A_0, %arg0 : i32
    %mul3A_1 = arith.constant 32 : i32
    %mul3A_2 = arith.muli %add3A, %mul3A_1 : i32
    "tpu.region"() ({
      %run_scoped3A = tpu.sem_alloc : memref<!tpu.dma_semaphore, #tpu.memory_space<semaphore_mem>>
      %dma_start3A_7 = tpu.memref_slice %arg3[%mul3A_2] : memref<1024xi32, #tpu.memory_space<hbm>> -> memref<32xi32, #tpu.memory_space<hbm>>
      %dma_start3A_8 = tpu.memref_slice %arg3[%mul3A_2] : memref<1024xi32, #tpu.memory_space<hbm>> -> memref<32xi32, #tpu.memory_space<hbm>>
      tpu.enqueue_dma source(%dma_start3A_8 : memref<32xi32, #tpu.memory_space<hbm>>) target(%arg5 : memref<32xi32, #tpu.memory_space<vmem>>) target_semaphore(%run_scoped3A : memref<!tpu.dma_semaphore, #tpu.memory_space<semaphore_mem>>)
      %dma_wait3A_9 = tpu.memref_slice %arg3[%mul3A_2] : memref<1024xi32, #tpu.memory_space<hbm>> -> memref<32xi32, #tpu.memory_space<hbm>>
      %dma_wait3A_10 = tpu.memref_slice %arg3[%mul3A_2] : memref<1024xi32, #tpu.memory_space<hbm>> -> memref<32xi32, #tpu.memory_space<hbm>>
      tpu.wait_dma2 semaphore(%run_scoped3A : memref<!tpu.dma_semaphore, #tpu.memory_space<semaphore_mem>>) src(%dma_wait3A_10 : memref<32xi32, #tpu.memory_space<hbm>>) dst(%arg5 : memref<32xi32, #tpu.memory_space<vmem>>)
      tpu.yield
    }) : () -> ()
    %dma_start3A = arith.constant 0 : i32
    %dma_start3A_3 = arith.constant 0 : i32
    %dma_start3A_4 = tpu.memref_slice %arg2[%dma_start3A, %dma_start3A_3] : memref<262144x128xf32, #tpu.memory_space<hbm>> -> memref<262144x128xf32, #tpu.memory_space<hbm>>
    tpu.enqueue_indirect_dma source(%dma_start3A_4 : memref<262144x128xf32, #tpu.memory_space<hbm>>) target(%arg6 : memref<32x128xf32, #tpu.memory_space<vmem>>) offsets(%arg5 : memref<32xi32, #tpu.memory_space<vmem>>) semaphore(%arg7 : memref<!tpu.dma_semaphore, #tpu.memory_space<semaphore_mem>>)
    %dma_wait3A = arith.constant 0 : i32
    %dma_wait3A_5 = arith.constant 0 : i32
    %dma_wait3A_6 = tpu.memref_slice %arg2[%dma_wait3A, %dma_wait3A_5] : memref<262144x128xf32, #tpu.memory_space<hbm>> -> memref<262144x128xf32, #tpu.memory_space<hbm>>
    tpu.wait_indirect_dma semaphore(%arg7 : memref<!tpu.dma_semaphore, #tpu.memory_space<semaphore_mem>>) src(%dma_wait3A_6 : memref<262144x128xf32, #tpu.memory_space<hbm>>) dst(%arg6 : memref<32x128xf32, #tpu.memory_space<vmem>>)
    "tpu.region"() ({
      %run_scoped3A = tpu.sem_alloc : memref<!tpu.dma_semaphore, #tpu.memory_space<semaphore_mem>>
      %dma_start3A_7 = arith.constant 0 : i32
      %dma_start3A_8 = tpu.memref_slice %arg4[%mul3A_2, %dma_start3A_7] : memref<1024x128xf32, #tpu.memory_space<hbm>> -> memref<32x128xf32, #tpu.memory_space<hbm>>
      %dma_start3A_9 = arith.constant 0 : i32
      %dma_start3A_10 = tpu.memref_slice %arg4[%mul3A_2, %dma_start3A_9] : memref<1024x128xf32, #tpu.memory_space<hbm>> -> memref<32x128xf32, #tpu.memory_space<hbm>>
      tpu.enqueue_dma source(%arg6 : memref<32x128xf32, #tpu.memory_space<vmem>>) target(%dma_start3A_10 : memref<32x128xf32, #tpu.memory_space<hbm>>) target_semaphore(%run_scoped3A : memref<!tpu.dma_semaphore, #tpu.memory_space<semaphore_mem>>)
      %dma_wait3A_11 = arith.constant 0 : i32
      %dma_wait3A_12 = tpu.memref_slice %arg4[%mul3A_2, %dma_wait3A_11] : memref<1024x128xf32, #tpu.memory_space<hbm>> -> memref<32x128xf32, #tpu.memory_space<hbm>>
      %dma_wait3A_13 = arith.constant 0 : i32
      %dma_wait3A_14 = tpu.memref_slice %arg4[%mul3A_2, %dma_wait3A_13] : memref<1024x128xf32, #tpu.memory_space<hbm>> -> memref<32x128xf32, #tpu.memory_space<hbm>>
      tpu.wait_dma2 semaphore(%run_scoped3A : memref<!tpu.dma_semaphore, #tpu.memory_space<semaphore_mem>>) src(%arg6 : memref<32x128xf32, #tpu.memory_space<vmem>>) dst(%dma_wait3A_14 : memref<32x128xf32, #tpu.memory_space<hbm>>)
      tpu.yield
    }) : () -> ()
    return
  }
}

module attributes {stable_mosaic.version = 14 : i64} {
  func.func @_wbd_body(%arg0: memref<40x128xf32, #tpu.memory_space<vmem>>, %arg1: memref<128x1xf32, #tpu.memory_space<vmem>>, %arg2: memref<128x32xf32, #tpu.memory_space<vmem>>, %arg3: memref<1x32xf32, #tpu.memory_space<vmem>>, %arg4: memref<1x32xf32, #tpu.memory_space<vmem>>, %arg5: memref<160x128xf32, #tpu.memory_space<vmem>>) attributes {dimension_semantics = [], scalar_prefetch = 0 : i64, scratch_operands = 0 : i64, tpu.core_type = #tpu.core_type<tc>} {
    %get3A = arith.constant 0 : index
    %get3A_0 = arith.constant 0 : index
    %get3A_1 = vector.load %arg1[%get3A, %get3A_0] : memref<128x1xf32, #tpu.memory_space<vmem>>, vector<128x1xf32>
    %get3A_2 = arith.constant 0 : index
    %get3A_3 = arith.constant 0 : index
    %get3A_4 = vector.load %arg2[%get3A_2, %get3A_3] : memref<128x32xf32, #tpu.memory_space<vmem>>, vector<128x32xf32>
    %get3A_5 = arith.constant 0 : index
    %get3A_6 = arith.constant 0 : index
    %get3A_7 = vector.load %arg3[%get3A_5, %get3A_6] : memref<1x32xf32, #tpu.memory_space<vmem>>, vector<1x32xf32>
    %mul3A = vector.broadcast %get3A_7 : vector<1x32xf32> to vector<128x32xf32>
    %mul3A_8 = arith.mulf %get3A_4, %mul3A : vector<128x32xf32>
    %get3A_9 = arith.constant 0 : index
    %get3A_10 = arith.constant 0 : index
    %get3A_11 = vector.load %arg4[%get3A_9, %get3A_10] : memref<1x32xf32, #tpu.memory_space<vmem>>, vector<1x32xf32>
    %mul3A_12 = vector.broadcast %get3A_11 : vector<1x32xf32> to vector<128x32xf32>
    %mul3A_13 = arith.mulf %mul3A_8, %mul3A_12 : vector<128x32xf32>
    %add3A = vector.broadcast %get3A_1 : vector<128x1xf32> to vector<128x32xf32>
    %add3A_14 = arith.addf %add3A, %mul3A_13 : vector<128x32xf32>
    %get3A_15 = arith.constant 0 : index
    %get3A_16 = arith.constant 0 : index
    %get3A_17 = vector.load %arg0[%get3A_15, %get3A_16] : memref<40x128xf32, #tpu.memory_space<vmem>>, vector<40x128xf32>
    %dot_general3A = arith.constant dense<0.000000e+00> : vector<40x32xf32>
    %dot_general3A_18 = tpu.matmul %get3A_17, %add3A_14, %dot_general3A {dimension_numbers = #tpu.dot_dimension_numbers<[1], [0], [0], [1], [0, 0, 1, 1], [], []>, transpose_lhs_hint = false} : vector<40x128xf32>, vector<128x32xf32>, vector<40x32xf32> -> vector<40x32xf32>
    %gt3A = arith.constant 0.000000e+00 : f32
    %gt3A_19 = vector.broadcast %gt3A : f32 to vector<40x32xf32>
    %gt3A_20 = arith.cmpf ogt, %dot_general3A_18, %gt3A_19 : vector<40x32xf32>
    %convert_element_type3A = arith.extui %gt3A_20 : vector<40x32xi1> to vector<40x32xi32>
    %convert_element_type3A_21 = arith.sitofp %convert_element_type3A : vector<40x32xi32> to vector<40x32xf32>
    %mul3A_22 = arith.constant 2.000000e+00 : f32
    %mul3A_23 = vector.broadcast %mul3A_22 : f32 to vector<40x32xf32>
    %mul3A_24 = arith.mulf %mul3A_23, %convert_element_type3A_21 : vector<40x32xf32>
    %sub3A = arith.constant 1.000000e+00 : f32
    %sub3A_25 = vector.broadcast %sub3A : f32 to vector<40x32xf32>
    %sub3A_26 = arith.subf %sub3A_25, %mul3A_24 : vector<40x32xf32>
    %mul3A_27 = arith.constant 1.310720e+05 : f32
    %mul3A_28 = vector.broadcast %mul3A_27 : f32 to vector<40x32xf32>
    %mul3A_29 = arith.mulf %sub3A_26, %mul3A_28 : vector<40x32xf32>
    %broadcast_in_dim3A = arith.constant 0.000000e+00 : f32
    %broadcast_in_dim3A_30 = vector.broadcast %broadcast_in_dim3A : f32 to vector<160x128xf32>
    %swap3A = arith.constant 0 : index
    %swap3A_31 = arith.constant 0 : index
    %swap3A_32 = vector.load %arg5[%swap3A, %swap3A_31] : memref<160x128xf32, #tpu.memory_space<vmem>>, vector<160x128xf32>
    tpu.vector_store %arg5[%swap3A, %swap3A_31], %broadcast_in_dim3A_30 {strides = array<i32>} : memref<160x128xf32, #tpu.memory_space<vmem>>, vector<160x128xf32>,
    %swap3A_33 = arith.constant 0 : index
    %swap3A_34 = arith.constant 0 : index
    %swap3A_35 = vector.load %arg5[%swap3A_33, %swap3A_34] : memref<160x128xf32, #tpu.memory_space<vmem>>, vector<40x32xf32>
    tpu.vector_store %arg5[%swap3A_33, %swap3A_34], %mul3A_29 {strides = array<i32>} : memref<160x128xf32, #tpu.memory_space<vmem>>, vector<40x32xf32>,
    %swap3A_36 = arith.constant 40 : index
    %swap3A_37 = arith.constant 32 : index
    %swap3A_38 = vector.load %arg5[%swap3A_36, %swap3A_37] : memref<160x128xf32, #tpu.memory_space<vmem>>, vector<40x32xf32>
    tpu.vector_store %arg5[%swap3A_36, %swap3A_37], %mul3A_29 {strides = array<i32>} : memref<160x128xf32, #tpu.memory_space<vmem>>, vector<40x32xf32>,
    %swap3A_39 = arith.constant 80 : index
    %swap3A_40 = arith.constant 64 : index
    %swap3A_41 = vector.load %arg5[%swap3A_39, %swap3A_40] : memref<160x128xf32, #tpu.memory_space<vmem>>, vector<40x32xf32>
    tpu.vector_store %arg5[%swap3A_39, %swap3A_40], %mul3A_29 {strides = array<i32>} : memref<160x128xf32, #tpu.memory_space<vmem>>, vector<40x32xf32>,
    %swap3A_42 = arith.constant 120 : index
    %swap3A_43 = arith.constant 96 : index
    %swap3A_44 = vector.load %arg5[%swap3A_42, %swap3A_43] : memref<160x128xf32, #tpu.memory_space<vmem>>, vector<40x32xf32>
    tpu.vector_store %arg5[%swap3A_42, %swap3A_43], %mul3A_29 {strides = array<i32>} : memref<160x128xf32, #tpu.memory_space<vmem>>, vector<40x32xf32>,
    return
  }
}

module attributes {stable_mosaic.version = 14 : i64} {
  func.func @_topk_body(%arg0: i32, %arg1: i32, %arg2: memref<1x512x512xf32, #tpu.memory_space<vmem>>, %arg3: memref<512x160xf32, #tpu.memory_space<vmem>>, %arg4: memref<160x128xf32, #tpu.memory_space<vmem>>, %arg5: memref<512x128xf32, #tpu.memory_space<vmem>>, %arg6: memref<1x8x128xf32, #tpu.memory_space<vmem>>, %arg7: memref<8x128xf32, #tpu.memory_space<vmem>>) attributes {dimension_semantics = [#tpu.dimension_semantics<arbitrary>, #tpu.dimension_semantics<arbitrary>], iteration_bounds = array<i64: 4, 32>, scalar_prefetch = 0 : i64, scratch_operands = 1 : i64, tpu.core_type = #tpu.core_type<tc>, window_params = [{transform_indices = @transform_0, window_bounds = array<i64: 1, 512, 512>}, {pipeline_mode = #tpu.pipeline_mode<synchronous>, transform_indices = @transform_1, window_bounds = array<i64: 512, 160>}, {pipeline_mode = #tpu.pipeline_mode<synchronous>, transform_indices = @transform_2, window_bounds = array<i64: 160, 128>}, {pipeline_mode = #tpu.pipeline_mode<synchronous>, transform_indices = @transform_3, window_bounds = array<i64: 512, 128>}, {transform_indices = @transform_4, window_bounds = array<i64: 1, 8, 128>}]} {
    %eq3A = arith.constant 0 : i32
    %eq3A_0 = arith.cmpi eq, %arg1, %eq3A : i32
    %convert_element_type3A = arith.extui %eq3A_0 : i1 to i32
    %cond3A = arith.constant 0 : i32
    %cond3A_1 = arith.cmpi ne, %convert_element_type3A, %cond3A : i32
    scf.if %cond3A_1 {
      %broadcast_in_dim3A_206 = arith.constant 1.000000e+09 : f32
      %broadcast_in_dim3A_207 = vector.broadcast %broadcast_in_dim3A_206 : f32 to vector<8x128xf32>
      %swap3A_208 = arith.constant 0 : index
      %swap3A_209 = arith.constant 0 : index
      %swap3A_210 = vector.load %arg7[%swap3A_208, %swap3A_209] : memref<8x128xf32, #tpu.memory_space<vmem>>, vector<8x128xf32>
      tpu.vector_store %arg7[%swap3A_208, %swap3A_209], %broadcast_in_dim3A_207 {strides = array<i32>} : memref<8x128xf32, #tpu.memory_space<vmem>>, vector<8x128xf32>,
    } else {
    }
    %get3A = arith.constant 0 : index
    %get3A_2 = arith.constant 0 : index
    %get3A_3 = arith.constant 0 : index
    %get3A_4 = vector.load %arg2[%get3A, %get3A_2, %get3A_3] : memref<1x512x512xf32, #tpu.memory_space<vmem>>, vector<1x512x512xf32>
    %get3A_5 = vector.shape_cast %get3A_4 : vector<1x512x512xf32> to vector<512x512xf32>
    %get3A_6 = arith.constant 0 : index
    %get3A_7 = arith.constant 0 : index
    %get3A_8 = vector.load %arg3[%get3A_6, %get3A_7] : memref<512x160xf32, #tpu.memory_space<vmem>>, vector<512x160xf32>
    %dot_general3A = arith.constant dense<0.000000e+00> : vector<512x160xf32>
    %dot_general3A_9 = tpu.matmul %get3A_5, %get3A_8, %dot_general3A {dimension_numbers = #tpu.dot_dimension_numbers<[1], [0], [0], [1], [0, 0, 1, 1], [], []>, transpose_lhs_hint = false} : vector<512x512xf32>, vector<512x160xf32>, vector<512x160xf32> -> vector<512x160xf32>
    %gt3A = arith.constant 0.000000e+00 : f32
    %gt3A_10 = vector.broadcast %gt3A : f32 to vector<512x160xf32>
    %gt3A_11 = arith.cmpf ogt, %dot_general3A_9, %gt3A_10 : vector<512x160xf32>
    %convert_element_type3A_12 = arith.extui %gt3A_11 : vector<512x160xi1> to vector<512x160xi32>
    %convert_element_type3A_13 = arith.sitofp %convert_element_type3A_12 : vector<512x160xi32> to vector<512x160xf32>
    %convert_element_type3A_14 = arith.truncf %convert_element_type3A_13 : vector<512x160xf32> to vector<512x160xbf16>
    %get3A_15 = arith.constant 0 : index
    %get3A_16 = arith.constant 0 : index
    %get3A_17 = vector.load %arg4[%get3A_15, %get3A_16] : memref<160x128xf32, #tpu.memory_space<vmem>>, vector<160x128xf32>
    %convert_element_type3A_18 = arith.truncf %get3A_17 : vector<160x128xf32> to vector<160x128xbf16>
    %dot_general3A_19 = arith.constant dense<0.000000e+00> : vector<512x128xf32>
    %dot_general3A_20 = tpu.matmul %convert_element_type3A_14, %convert_element_type3A_18, %dot_general3A_19 {dimension_numbers = #tpu.dot_dimension_numbers<[1], [0], [0], [1], [0, 0, 1, 1], [], []>, transpose_lhs_hint = false} : vector<512x160xbf16>, vector<160x128xbf16>, vector<512x128xf32> -> vector<512x128xf32>
    %get3A_21 = arith.constant 0 : index
    %get3A_22 = arith.constant 0 : index
    %get3A_23 = vector.load %arg5[%get3A_21, %get3A_22] : memref<512x128xf32, #tpu.memory_space<vmem>>, vector<512x128xf32>
    %convert_element_type3A_24 = arith.sitofp %arg1 : i32 to f32
    %mul3A = arith.constant 2.048000e+03 : f32
    %mul3A_25 = arith.mulf %mul3A, %convert_element_type3A_24 : f32
    %add3A = vector.broadcast %mul3A_25 : f32 to vector<512x128xf32>
    %add3A_26 = arith.addf %get3A_23, %add3A : vector<512x128xf32>
    %add3A_27 = arith.addf %dot_general3A_20, %add3A_26 : vector<512x128xf32>
    %get3A_28 = arith.constant 0 : index
    %get3A_29 = arith.constant 0 : index
    %get3A_30 = vector.load %arg7[%get3A_28, %get3A_29] : memref<8x128xf32, #tpu.memory_space<vmem>>, vector<8x128xf32>
    %broadcast_in_dim3A = arith.constant -1.000000e+00 : f32
    %broadcast_in_dim3A_31 = vector.broadcast %broadcast_in_dim3A : f32 to vector<1x128xf32>
    %gt3A_32 = vector.broadcast %broadcast_in_dim3A_31 : vector<1x128xf32> to vector<512x128xf32>
    %gt3A_33 = arith.cmpf ogt, %add3A_27, %gt3A_32 : vector<512x128xf32>
    %jit3A = arith.constant 1.000000e+09 : f32
    %broadcast_in_dim3A_34 = vector.broadcast %jit3A : f32 to vector<512x128xf32>
    %select_n3A = arith.select %gt3A_33, %add3A_27, %broadcast_in_dim3A_34 : vector<512x128xi1>, vector<512x128xf32>
    %slice3A = vector.extract_strided_slice %select_n3A {offsets = [0, 0], sizes = [256, 128], strides = [1, 1]} : vector<512x128xf32> to vector<256x128xf32>
    %slice3A_35 = vector.extract_strided_slice %select_n3A {offsets = [256, 0], sizes = [256, 128], strides = [1, 1]} : vector<512x128xf32> to vector<256x128xf32>
    %min3A = arith.minimumf %slice3A, %slice3A_35 : vector<256x128xf32>
    %slice3A_36 = vector.extract_strided_slice %min3A {offsets = [0, 0], sizes = [128, 128], strides = [1, 1]} : vector<256x128xf32> to vector<128x128xf32>
    %slice3A_37 = vector.extract_strided_slice %min3A {offsets = [128, 0], sizes = [128, 128], strides = [1, 1]} : vector<256x128xf32> to vector<128x128xf32>
    %min3A_38 = arith.minimumf %slice3A_36, %slice3A_37 : vector<128x128xf32>
    %slice3A_39 = vector.extract_strided_slice %min3A_38 {offsets = [0, 0], sizes = [64, 128], strides = [1, 1]} : vector<128x128xf32> to vector<64x128xf32>
    %slice3A_40 = vector.extract_strided_slice %min3A_38 {offsets = [64, 0], sizes = [64, 128], strides = [1, 1]} : vector<128x128xf32> to vector<64x128xf32>
    %min3A_41 = arith.minimumf %slice3A_39, %slice3A_40 : vector<64x128xf32>
    %slice3A_42 = vector.extract_strided_slice %min3A_41 {offsets = [0, 0], sizes = [32, 128], strides = [1, 1]} : vector<64x128xf32> to vector<32x128xf32>
    %slice3A_43 = vector.extract_strided_slice %min3A_41 {offsets = [32, 0], sizes = [32, 128], strides = [1, 1]} : vector<64x128xf32> to vector<32x128xf32>
    %min3A_44 = arith.minimumf %slice3A_42, %slice3A_43 : vector<32x128xf32>
    %slice3A_45 = vector.extract_strided_slice %min3A_44 {offsets = [0, 0], sizes = [16, 128], strides = [1, 1]} : vector<32x128xf32> to vector<16x128xf32>
    %slice3A_46 = vector.extract_strided_slice %min3A_44 {offsets = [16, 0], sizes = [16, 128], strides = [1, 1]} : vector<32x128xf32> to vector<16x128xf32>
    %min3A_47 = arith.minimumf %slice3A_45, %slice3A_46 : vector<16x128xf32>
    %slice3A_48 = vector.extract_strided_slice %min3A_47 {offsets = [0, 0], sizes = [8, 128], strides = [1, 1]} : vector<16x128xf32> to vector<8x128xf32>
    %slice3A_49 = vector.extract_strided_slice %min3A_47 {offsets = [8, 0], sizes = [8, 128], strides = [1, 1]} : vector<16x128xf32> to vector<8x128xf32>
    %min3A_50 = arith.minimumf %slice3A_48, %slice3A_49 : vector<8x128xf32>
    %gt3A_51 = vector.broadcast %broadcast_in_dim3A_31 : vector<1x128xf32> to vector<8x128xf32>
    %gt3A_52 = arith.cmpf ogt, %get3A_30, %gt3A_51 : vector<8x128xf32>
    %jit3A_53 = arith.constant 1.000000e+09 : f32
    %broadcast_in_dim3A_54 = vector.broadcast %jit3A_53 : f32 to vector<8x128xf32>
    %select_n3A_55 = arith.select %gt3A_52, %get3A_30, %broadcast_in_dim3A_54 : vector<8x128xi1>, vector<8x128xf32>
    %min3A_56 = arith.minimumf %min3A_50, %select_n3A_55 : vector<8x128xf32>
    %reduce_min3A = arith.constant dense<0x7F800000> : vector<128xf32>
    %reduce_min3A_57 = vector.multi_reduction <minimumf>, %min3A_56, %reduce_min3A [0] : vector<8x128xf32> to vector<128xf32>
    %broadcast_in_dim3A_58 = vector.shape_cast %reduce_min3A_57 : vector<128xf32> to vector<1x128xf32>
    %swap3A = arith.constant 0 : index
    %swap3A_59 = arith.constant 0 : index
    %swap3A_60 = vector.load %arg7[%swap3A, %swap3A_59] : memref<8x128xf32, #tpu.memory_space<vmem>>, vector<1x128xf32>
    tpu.vector_store %arg7[%swap3A, %swap3A_59], %broadcast_in_dim3A_58 {strides = array<i32>} : memref<8x128xf32, #tpu.memory_space<vmem>>, vector<1x128xf32>,
    %gt3A_61 = vector.broadcast %broadcast_in_dim3A_58 : vector<1x128xf32> to vector<512x128xf32>
    %gt3A_62 = arith.cmpf ogt, %add3A_27, %gt3A_61 : vector<512x128xf32>
    %jit3A_63 = arith.constant 1.000000e+09 : f32
    %broadcast_in_dim3A_64 = vector.broadcast %jit3A_63 : f32 to vector<512x128xf32>
    %select_n3A_65 = arith.select %gt3A_62, %add3A_27, %broadcast_in_dim3A_64 : vector<512x128xi1>, vector<512x128xf32>
    %slice3A_66 = vector.extract_strided_slice %select_n3A_65 {offsets = [0, 0], sizes = [256, 128], strides = [1, 1]} : vector<512x128xf32> to vector<256x128xf32>
    %slice3A_67 = vector.extract_strided_slice %select_n3A_65 {offsets = [256, 0], sizes = [256, 128], strides = [1, 1]} : vector<512x128xf32> to vector<256x128xf32>
    %min3A_68 = arith.minimumf %slice3A_66, %slice3A_67 : vector<256x128xf32>
    %slice3A_69 = vector.extract_strided_slice %min3A_68 {offsets = [0, 0], sizes = [128, 128], strides = [1, 1]} : vector<256x128xf32> to vector<128x128xf32>
    %slice3A_70 = vector.extract_strided_slice %min3A_68 {offsets = [128, 0], sizes = [128, 128], strides = [1, 1]} : vector<256x128xf32> to vector<128x128xf32>
    %min3A_71 = arith.minimumf %slice3A_69, %slice3A_70 : vector<128x128xf32>
    %slice3A_72 = vector.extract_strided_slice %min3A_71 {offsets = [0, 0], sizes = [64, 128], strides = [1, 1]} : vector<128x128xf32> to vector<64x128xf32>
    %slice3A_73 = vector.extract_strided_slice %min3A_71 {offsets = [64, 0], sizes = [64, 128], strides = [1, 1]} : vector<128x128xf32> to vector<64x128xf32>
    %min3A_74 = arith.minimumf %slice3A_72, %slice3A_73 : vector<64x128xf32>
    %slice3A_75 = vector.extract_strided_slice %min3A_74 {offsets = [0, 0], sizes = [32, 128], strides = [1, 1]} : vector<64x128xf32> to vector<32x128xf32>
    %slice3A_76 = vector.extract_strided_slice %min3A_74 {offsets = [32, 0], sizes = [32, 128], strides = [1, 1]} : vector<64x128xf32> to vector<32x128xf32>
    %min3A_77 = arith.minimumf %slice3A_75, %slice3A_76 : vector<32x128xf32>
    %slice3A_78 = vector.extract_strided_slice %min3A_77 {offsets = [0, 0], sizes = [16, 128], strides = [1, 1]} : vector<32x128xf32> to vector<16x128xf32>
    %slice3A_79 = vector.extract_strided_slice %min3A_77 {offsets = [16, 0], sizes = [16, 128], strides = [1, 1]} : vector<32x128xf32> to vector<16x128xf32>
    %min3A_80 = arith.minimumf %slice3A_78, %slice3A_79 : vector<16x128xf32>
    %slice3A_81 = vector.extract_strided_slice %min3A_80 {offsets = [0, 0], sizes = [8, 128], strides = [1, 1]} : vector<16x128xf32> to vector<8x128xf32>
    %slice3A_82 = vector.extract_strided_slice %min3A_80 {offsets = [8, 0], sizes = [8, 128], strides = [1, 1]} : vector<16x128xf32> to vector<8x128xf32>
    %min3A_83 = arith.minimumf %slice3A_81, %slice3A_82 : vector<8x128xf32>
    %gt3A_84 = vector.broadcast %broadcast_in_dim3A_58 : vector<1x128xf32> to vector<8x128xf32>
    %gt3A_85 = arith.cmpf ogt, %get3A_30, %gt3A_84 : vector<8x128xf32>
    %jit3A_86 = arith.constant 1.000000e+09 : f32
    %broadcast_in_dim3A_87 = vector.broadcast %jit3A_86 : f32 to vector<8x128xf32>
    %select_n3A_88 = arith.select %gt3A_85, %get3A_30, %broadcast_in_dim3A_87 : vector<8x128xi1>, vector<8x128xf32>
    %min3A_89 = arith.minimumf %min3A_83, %select_n3A_88 : vector<8x128xf32>
    %reduce_min3A_90 = arith.constant dense<0x7F800000> : vector<128xf32>
    %reduce_min3A_91 = vector.multi_reduction <minimumf>, %min3A_89, %reduce_min3A_90 [0] : vector<8x128xf32> to vector<128xf32>
    %broadcast_in_dim3A_92 = vector.shape_cast %reduce_min3A_91 : vector<128xf32> to vector<1x128xf32>
    %swap3A_93 = arith.constant 1 : index
    %swap3A_94 = arith.constant 0 : index
    %swap3A_95 = vector.load %arg7[%swap3A_93, %swap3A_94] : memref<8x128xf32, #tpu.memory_space<vmem>>, vector<1x128xf32>
    tpu.vector_store %arg7[%swap3A_93, %swap3A_94], %broadcast_in_dim3A_92 {strides = array<i32>} : memref<8x128xf32, #tpu.memory_space<vmem>>, vector<1x128xf32>,
    %gt3A_96 = vector.broadcast %broadcast_in_dim3A_92 : vector<1x128xf32> to vector<512x128xf32>
    %gt3A_97 = arith.cmpf ogt, %add3A_27, %gt3A_96 : vector<512x128xf32>
    %jit3A_98 = arith.constant 1.000000e+09 : f32
    %broadcast_in_dim3A_99 = vector.broadcast %jit3A_98 : f32 to vector<512x128xf32>
    %select_n3A_100 = arith.select %gt3A_97, %add3A_27, %broadcast_in_dim3A_99 : vector<512x128xi1>, vector<512x128xf32>
    %slice3A_101 = vector.extract_strided_slice %select_n3A_100 {offsets = [0, 0], sizes = [256, 128], strides = [1, 1]} : vector<512x128xf32> to vector<256x128xf32>
    %slice3A_102 = vector.extract_strided_slice %select_n3A_100 {offsets = [256, 0], sizes = [256, 128], strides = [1, 1]} : vector<512x128xf32> to vector<256x128xf32>
    %min3A_103 = arith.minimumf %slice3A_101, %slice3A_102 : vector<256x128xf32>
    %slice3A_104 = vector.extract_strided_slice %min3A_103 {offsets = [0, 0], sizes = [128, 128], strides = [1, 1]} : vector<256x128xf32> to vector<128x128xf32>
    %slice3A_105 = vector.extract_strided_slice %min3A_103 {offsets = [128, 0], sizes = [128, 128], strides = [1, 1]} : vector<256x128xf32> to vector<128x128xf32>
    %min3A_106 = arith.minimumf %slice3A_104, %slice3A_105 : vector<128x128xf32>
    %slice3A_107 = vector.extract_strided_slice %min3A_106 {offsets = [0, 0], sizes = [64, 128], strides = [1, 1]} : vector<128x128xf32> to vector<64x128xf32>
    %slice3A_108 = vector.extract_strided_slice %min3A_106 {offsets = [64, 0], sizes = [64, 128], strides = [1, 1]} : vector<128x128xf32> to vector<64x128xf32>
    %min3A_109 = arith.minimumf %slice3A_107, %slice3A_108 : vector<64x128xf32>
    %slice3A_110 = vector.extract_strided_slice %min3A_109 {offsets = [0, 0], sizes = [32, 128], strides = [1, 1]} : vector<64x128xf32> to vector<32x128xf32>
    %slice3A_111 = vector.extract_strided_slice %min3A_109 {offsets = [32, 0], sizes = [32, 128], strides = [1, 1]} : vector<64x128xf32> to vector<32x128xf32>
    %min3A_112 = arith.minimumf %slice3A_110, %slice3A_111 : vector<32x128xf32>
    %slice3A_113 = vector.extract_strided_slice %min3A_112 {offsets = [0, 0], sizes = [16, 128], strides = [1, 1]} : vector<32x128xf32> to vector<16x128xf32>
    %slice3A_114 = vector.extract_strided_slice %min3A_112 {offsets = [16, 0], sizes = [16, 128], strides = [1, 1]} : vector<32x128xf32> to vector<16x128xf32>
    %min3A_115 = arith.minimumf %slice3A_113, %slice3A_114 : vector<16x128xf32>
    %slice3A_116 = vector.extract_strided_slice %min3A_115 {offsets = [0, 0], sizes = [8, 128], strides = [1, 1]} : vector<16x128xf32> to vector<8x128xf32>
    %slice3A_117 = vector.extract_strided_slice %min3A_115 {offsets = [8, 0], sizes = [8, 128], strides = [1, 1]} : vector<16x128xf32> to vector<8x128xf32>
    %min3A_118 = arith.minimumf %slice3A_116, %slice3A_117 : vector<8x128xf32>
    %gt3A_119 = vector.broadcast %broadcast_in_dim3A_92 : vector<1x128xf32> to vector<8x128xf32>
    %gt3A_120 = arith.cmpf ogt, %get3A_30, %gt3A_119 : vector<8x128xf32>
    %jit3A_121 = arith.constant 1.000000e+09 : f32
    %broadcast_in_dim3A_122 = vector.broadcast %jit3A_121 : f32 to vector<8x128xf32>
    %select_n3A_123 = arith.select %gt3A_120, %get3A_30, %broadcast_in_dim3A_122 : vector<8x128xi1>, vector<8x128xf32>
    %min3A_124 = arith.minimumf %min3A_118, %select_n3A_123 : vector<8x128xf32>
    %reduce_min3A_125 = arith.constant dense<0x7F800000> : vector<128xf32>
    %reduce_min3A_126 = vector.multi_reduction <minimumf>, %min3A_124, %reduce_min3A_125 [0] : vector<8x128xf32> to vector<128xf32>
    %broadcast_in_dim3A_127 = vector.shape_cast %reduce_min3A_126 : vector<128xf32> to vector<1x128xf32>
    %swap3A_128 = arith.constant 2 : index
    %swap3A_129 = arith.constant 0 : index
    %swap3A_130 = vector.load %arg7[%swap3A_128, %swap3A_129] : memref<8x128xf32, #tpu.memory_space<vmem>>, vector<1x128xf32>
    tpu.vector_store %arg7[%swap3A_128, %swap3A_129], %broadcast_in_dim3A_127 {strides = array<i32>} : memref<8x128xf32, #tpu.memory_space<vmem>>, vector<1x128xf32>,
    %gt3A_131 = vector.broadcast %broadcast_in_dim3A_127 : vector<1x128xf32> to vector<512x128xf32>
    %gt3A_132 = arith.cmpf ogt, %add3A_27, %gt3A_131 : vector<512x128xf32>
    %jit3A_133 = arith.constant 1.000000e+09 : f32
    %broadcast_in_dim3A_134 = vector.broadcast %jit3A_133 : f32 to vector<512x128xf32>
    %select_n3A_135 = arith.select %gt3A_132, %add3A_27, %broadcast_in_dim3A_134 : vector<512x128xi1>, vector<512x128xf32>
    %slice3A_136 = vector.extract_strided_slice %select_n3A_135 {offsets = [0, 0], sizes = [256, 128], strides = [1, 1]} : vector<512x128xf32> to vector<256x128xf32>
    %slice3A_137 = vector.extract_strided_slice %select_n3A_135 {offsets = [256, 0], sizes = [256, 128], strides = [1, 1]} : vector<512x128xf32> to vector<256x128xf32>
    %min3A_138 = arith.minimumf %slice3A_136, %slice3A_137 : vector<256x128xf32>
    %slice3A_139 = vector.extract_strided_slice %min3A_138 {offsets = [0, 0], sizes = [128, 128], strides = [1, 1]} : vector<256x128xf32> to vector<128x128xf32>
    %slice3A_140 = vector.extract_strided_slice %min3A_138 {offsets = [128, 0], sizes = [128, 128], strides = [1, 1]} : vector<256x128xf32> to vector<128x128xf32>
    %min3A_141 = arith.minimumf %slice3A_139, %slice3A_140 : vector<128x128xf32>
    %slice3A_142 = vector.extract_strided_slice %min3A_141 {offsets = [0, 0], sizes = [64, 128], strides = [1, 1]} : vector<128x128xf32> to vector<64x128xf32>
    %slice3A_143 = vector.extract_strided_slice %min3A_141 {offsets = [64, 0], sizes = [64, 128], strides = [1, 1]} : vector<128x128xf32> to vector<64x128xf32>
    %min3A_144 = arith.minimumf %slice3A_142, %slice3A_143 : vector<64x128xf32>
    %slice3A_145 = vector.extract_strided_slice %min3A_144 {offsets = [0, 0], sizes = [32, 128], strides = [1, 1]} : vector<64x128xf32> to vector<32x128xf32>
    %slice3A_146 = vector.extract_strided_slice %min3A_144 {offsets = [32, 0], sizes = [32, 128], strides = [1, 1]} : vector<64x128xf32> to vector<32x128xf32>
    %min3A_147 = arith.minimumf %slice3A_145, %slice3A_146 : vector<32x128xf32>
    %slice3A_148 = vector.extract_strided_slice %min3A_147 {offsets = [0, 0], sizes = [16, 128], strides = [1, 1]} : vector<32x128xf32> to vector<16x128xf32>
    %slice3A_149 = vector.extract_strided_slice %min3A_147 {offsets = [16, 0], sizes = [16, 128], strides = [1, 1]} : vector<32x128xf32> to vector<16x128xf32>
    %min3A_150 = arith.minimumf %slice3A_148, %slice3A_149 : vector<16x128xf32>
    %slice3A_151 = vector.extract_strided_slice %min3A_150 {offsets = [0, 0], sizes = [8, 128], strides = [1, 1]} : vector<16x128xf32> to vector<8x128xf32>
    %slice3A_152 = vector.extract_strided_slice %min3A_150 {offsets = [8, 0], sizes = [8, 128], strides = [1, 1]} : vector<16x128xf32> to vector<8x128xf32>
    %min3A_153 = arith.minimumf %slice3A_151, %slice3A_152 : vector<8x128xf32>
    %gt3A_154 = vector.broadcast %broadcast_in_dim3A_127 : vector<1x128xf32> to vector<8x128xf32>
    %gt3A_155 = arith.cmpf ogt, %get3A_30, %gt3A_154 : vector<8x128xf32>
    %jit3A_156 = arith.constant 1.000000e+09 : f32
    %broadcast_in_dim3A_157 = vector.broadcast %jit3A_156 : f32 to vector<8x128xf32>
    %select_n3A_158 = arith.select %gt3A_155, %get3A_30, %broadcast_in_dim3A_157 : vector<8x128xi1>, vector<8x128xf32>
    %min3A_159 = arith.minimumf %min3A_153, %select_n3A_158 : vector<8x128xf32>
    %reduce_min3A_160 = arith.constant dense<0x7F800000> : vector<128xf32>
    %reduce_min3A_161 = vector.multi_reduction <minimumf>, %min3A_159, %reduce_min3A_160 [0] : vector<8x128xf32> to vector<128xf32>
    %broadcast_in_dim3A_162 = vector.shape_cast %reduce_min3A_161 : vector<128xf32> to vector<1x128xf32>
    %swap3A_163 = arith.constant 3 : index
    %swap3A_164 = arith.constant 0 : index
    %swap3A_165 = vector.load %arg7[%swap3A_163, %swap3A_164] : memref<8x128xf32, #tpu.memory_space<vmem>>, vector<1x128xf32>
    tpu.vector_store %arg7[%swap3A_163, %swap3A_164], %broadcast_in_dim3A_162 {strides = array<i32>} : memref<8x128xf32, #tpu.memory_space<vmem>>, vector<1x128xf32>,
    %gt3A_166 = vector.broadcast %broadcast_in_dim3A_162 : vector<1x128xf32> to vector<512x128xf32>
    %gt3A_167 = arith.cmpf ogt, %add3A_27, %gt3A_166 : vector<512x128xf32>
    %jit3A_168 = arith.constant 1.000000e+09 : f32
    %broadcast_in_dim3A_169 = vector.broadcast %jit3A_168 : f32 to vector<512x128xf32>
    %select_n3A_170 = arith.select %gt3A_167, %add3A_27, %broadcast_in_dim3A_169 : vector<512x128xi1>, vector<512x128xf32>
    %slice3A_171 = vector.extract_strided_slice %select_n3A_170 {offsets = [0, 0], sizes = [256, 128], strides = [1, 1]} : vector<512x128xf32> to vector<256x128xf32>
    %slice3A_172 = vector.extract_strided_slice %select_n3A_170 {offsets = [256, 0], sizes = [256, 128], strides = [1, 1]} : vector<512x128xf32> to vector<256x128xf32>
    %min3A_173 = arith.minimumf %slice3A_171, %slice3A_172 : vector<256x128xf32>
    %slice3A_174 = vector.extract_strided_slice %min3A_173 {offsets = [0, 0], sizes = [128, 128], strides = [1, 1]} : vector<256x128xf32> to vector<128x128xf32>
    %slice3A_175 = vector.extract_strided_slice %min3A_173 {offsets = [128, 0], sizes = [128, 128], strides = [1, 1]} : vector<256x128xf32> to vector<128x128xf32>
    %min3A_176 = arith.minimumf %slice3A_174, %slice3A_175 : vector<128x128xf32>
    %slice3A_177 = vector.extract_strided_slice %min3A_176 {offsets = [0, 0], sizes = [64, 128], strides = [1, 1]} : vector<128x128xf32> to vector<64x128xf32>
    %slice3A_178 = vector.extract_strided_slice %min3A_176 {offsets = [64, 0], sizes = [64, 128], strides = [1, 1]} : vector<128x128xf32> to vector<64x128xf32>
    %min3A_179 = arith.minimumf %slice3A_177, %slice3A_178 : vector<64x128xf32>
    %slice3A_180 = vector.extract_strided_slice %min3A_179 {offsets = [0, 0], sizes = [32, 128], strides = [1, 1]} : vector<64x128xf32> to vector<32x128xf32>
    %slice3A_181 = vector.extract_strided_slice %min3A_179 {offsets = [32, 0], sizes = [32, 128], strides = [1, 1]} : vector<64x128xf32> to vector<32x128xf32>
    %min3A_182 = arith.minimumf %slice3A_180, %slice3A_181 : vector<32x128xf32>
    %slice3A_183 = vector.extract_strided_slice %min3A_182 {offsets = [0, 0], sizes = [16, 128], strides = [1, 1]} : vector<32x128xf32> to vector<16x128xf32>
    %slice3A_184 = vector.extract_strided_slice %min3A_182 {offsets = [16, 0], sizes = [16, 128], strides = [1, 1]} : vector<32x128xf32> to vector<16x128xf32>
    %min3A_185 = arith.minimumf %slice3A_183, %slice3A_184 : vector<16x128xf32>
    %slice3A_186 = vector.extract_strided_slice %min3A_185 {offsets = [0, 0], sizes = [8, 128], strides = [1, 1]} : vector<16x128xf32> to vector<8x128xf32>
    %slice3A_187 = vector.extract_strided_slice %min3A_185 {offsets = [8, 0], sizes = [8, 128], strides = [1, 1]} : vector<16x128xf32> to vector<8x128xf32>
    %min3A_188 = arith.minimumf %slice3A_186, %slice3A_187 : vector<8x128xf32>
    %gt3A_189 = vector.broadcast %broadcast_in_dim3A_162 : vector<1x128xf32> to vector<8x128xf32>
    %gt3A_190 = arith.cmpf ogt, %get3A_30, %gt3A_189 : vector<8x128xf32>
    %jit3A_191 = arith.constant 1.000000e+09 : f32
    %broadcast_in_dim3A_192 = vector.broadcast %jit3A_191 : f32 to vector<8x128xf32>
    %select_n3A_193 = arith.select %gt3A_190, %get3A_30, %broadcast_in_dim3A_192 : vector<8x128xi1>, vector<8x128xf32>
    %min3A_194 = arith.minimumf %min3A_188, %select_n3A_193 : vector<8x128xf32>
    %reduce_min3A_195 = arith.constant dense<0x7F800000> : vector<128xf32>
    %reduce_min3A_196 = vector.multi_reduction <minimumf>, %min3A_194, %reduce_min3A_195 [0] : vector<8x128xf32> to vector<128xf32>
    %broadcast_in_dim3A_197 = vector.shape_cast %reduce_min3A_196 : vector<128xf32> to vector<1x128xf32>
    %swap3A_198 = arith.constant 4 : index
    %swap3A_199 = arith.constant 0 : index
    %swap3A_200 = vector.load %arg7[%swap3A_198, %swap3A_199] : memref<8x128xf32, #tpu.memory_space<vmem>>, vector<1x128xf32>
    tpu.vector_store %arg7[%swap3A_198, %swap3A_199], %broadcast_in_dim3A_197 {strides = array<i32>} : memref<8x128xf32, #tpu.memory_space<vmem>>, vector<1x128xf32>,
    %eq3A_201 = arith.constant 31 : i32
    %eq3A_202 = arith.cmpi eq, %arg1, %eq3A_201 : i32
    %convert_element_type3A_203 = arith.extui %eq3A_202 : i1 to i32
    %cond3A_204 = arith.constant 0 : i32
    %cond3A_205 = arith.cmpi ne, %convert_element_type3A_203, %cond3A_204 : i32
    scf.if %cond3A_205 {
      %get3A_206 = arith.constant 0 : index
      %get3A_207 = arith.constant 0 : index
      %get3A_208 = vector.load %arg7[%get3A_206, %get3A_207] : memref<8x128xf32, #tpu.memory_space<vmem>>, vector<8x128xf32>
      %swap3A_209 = arith.constant 0 : index
      %swap3A_210 = arith.constant 0 : index
      %swap3A_211 = arith.constant 0 : index
      %swap3A_212 = vector.load %arg6[%swap3A_209, %swap3A_210, %swap3A_211] : memref<1x8x128xf32, #tpu.memory_space<vmem>>, vector<1x8x128xf32>
      %swap3A_213 = vector.shape_cast %swap3A_212 : vector<1x8x128xf32> to vector<8x128xf32>
      %swap3A_214 = vector.shape_cast %get3A_208 : vector<8x128xf32> to vector<1x8x128xf32>
      tpu.vector_store %arg6[%swap3A_209, %swap3A_210, %swap3A_211], %swap3A_214 {strides = array<i32>} : memref<1x8x128xf32, #tpu.memory_space<vmem>>, vector<1x8x128xf32>,
    } else {
    }
    return
  }
  func.func @transform_0(%arg0: i32, %arg1: i32) -> (i32, i32, i32) {
    %c0_i32 = arith.constant 0 : i32
    %c0_i32_0 = arith.constant 0 : i32
    return %arg0, %arg1, %c0_i32 : i32, i32, i32
  }
  func.func @transform_1(%arg0: i32, %arg1: i32) -> (i32, i32) {
    %c0_i32 = arith.constant 0 : i32
    %c0_i32_0 = arith.constant 0 : i32
    %c0_i32_1 = arith.constant 0 : i32
    return %c0_i32, %c0_i32_0 : i32, i32
  }
  func.func @transform_2(%arg0: i32, %arg1: i32) -> (i32, i32) {
    %c0_i32 = arith.constant 0 : i32
    %c0_i32_0 = arith.constant 0 : i32
    %c0_i32_1 = arith.constant 0 : i32
    return %c0_i32, %c0_i32_0 : i32, i32
  }
  func.func @transform_3(%arg0: i32, %arg1: i32) -> (i32, i32) {
    %c0_i32 = arith.constant 0 : i32
    %c0_i32_0 = arith.constant 0 : i32
    %c0_i32_1 = arith.constant 0 : i32
    return %c0_i32, %c0_i32_0 : i32, i32
  }
  func.func @transform_4(%arg0: i32, %arg1: i32) -> (i32, i32, i32) {
    %c0_i32 = arith.constant 0 : i32
    %c0_i32_0 = arith.constant 0 : i32
    %c0_i32_1 = arith.constant 0 : i32
    return %arg0, %c0_i32, %c0_i32_0 : i32, i32, i32
  }
}

module attributes {stable_mosaic.version = 14 : i64} {
  func.func @_merge_body(%arg0: i32, %arg1: memref<1x8x128xf32, #tpu.memory_space<vmem>>, %arg2: memref<1x8x32xi32, #tpu.memory_space<vmem>>) attributes {dimension_semantics = [#tpu.dimension_semantics<arbitrary>], iteration_bounds = array<i64: 4>, scalar_prefetch = 0 : i64, scratch_operands = 0 : i64, tpu.core_type = #tpu.core_type<tc>, window_params = [{transform_indices = @transform_0, window_bounds = array<i64: 1, 8, 128>}, {transform_indices = @transform_1, window_bounds = array<i64: 1, 8, 32>}]} {
    %get3A = arith.constant 0 : index
    %get3A_0 = arith.constant 0 : index
    %get3A_1 = arith.constant 0 : index
    %get3A_2 = vector.load %arg1[%get3A, %get3A_0, %get3A_1] : memref<1x8x128xf32, #tpu.memory_space<vmem>>, vector<1x8x128xf32>
    %get3A_3 = vector.shape_cast %get3A_2 : vector<1x8x128xf32> to vector<8x128xf32>
    %broadcast_in_dim3A = arith.constant -1.000000e+00 : f32
    %broadcast_in_dim3A_4 = vector.broadcast %broadcast_in_dim3A : f32 to vector<1x128xf32>
    %gt3A = vector.broadcast %broadcast_in_dim3A_4 : vector<1x128xf32> to vector<8x128xf32>
    %gt3A_5 = arith.cmpf ogt, %get3A_3, %gt3A : vector<8x128xf32>
    %jit3A = arith.constant 1.000000e+09 : f32
    %broadcast_in_dim3A_6 = vector.broadcast %jit3A : f32 to vector<8x128xf32>
    %select_n3A = arith.select %gt3A_5, %get3A_3, %broadcast_in_dim3A_6 : vector<8x128xi1>, vector<8x128xf32>
    %reduce_min3A = arith.constant dense<0x7F800000> : vector<128xf32>
    %reduce_min3A_7 = vector.multi_reduction <minimumf>, %select_n3A, %reduce_min3A [0] : vector<8x128xf32> to vector<128xf32>
    %broadcast_in_dim3A_8 = vector.shape_cast %reduce_min3A_7 : vector<128xf32> to vector<1x128xf32>
    %slice3A = vector.extract_strided_slice %broadcast_in_dim3A_8 {offsets = [0, 96], sizes = [1, 32], strides = [1, 1]} : vector<1x128xf32> to vector<1x32xf32>
    %slice3A_9 = vector.extract_strided_slice %broadcast_in_dim3A_8 {offsets = [0, 0], sizes = [1, 96], strides = [1, 1]} : vector<1x128xf32> to vector<1x96xf32>
    %concatenate3A = tpu.concatenate %slice3A, %slice3A_9 in 1 : vector<1x32xf32>, vector<1x96xf32> -> vector<1x128xf32>
    %min3A = arith.minimumf %broadcast_in_dim3A_8, %concatenate3A : vector<1x128xf32>
    %slice3A_10 = vector.extract_strided_slice %min3A {offsets = [0, 64], sizes = [1, 64], strides = [1, 1]} : vector<1x128xf32> to vector<1x64xf32>
    %slice3A_11 = vector.extract_strided_slice %min3A {offsets = [0, 0], sizes = [1, 64], strides = [1, 1]} : vector<1x128xf32> to vector<1x64xf32>
    %concatenate3A_12 = tpu.concatenate %slice3A_10, %slice3A_11 in 1 : vector<1x64xf32>, vector<1x64xf32> -> vector<1x128xf32>
    %min3A_13 = arith.minimumf %min3A, %concatenate3A_12 : vector<1x128xf32>
    %gt3A_14 = vector.broadcast %min3A_13 : vector<1x128xf32> to vector<8x128xf32>
    %gt3A_15 = arith.cmpf ogt, %get3A_3, %gt3A_14 : vector<8x128xf32>
    %jit3A_16 = arith.constant 1.000000e+09 : f32
    %broadcast_in_dim3A_17 = vector.broadcast %jit3A_16 : f32 to vector<8x128xf32>
    %select_n3A_18 = arith.select %gt3A_15, %get3A_3, %broadcast_in_dim3A_17 : vector<8x128xi1>, vector<8x128xf32>
    %reduce_min3A_19 = arith.constant dense<0x7F800000> : vector<128xf32>
    %reduce_min3A_20 = vector.multi_reduction <minimumf>, %select_n3A_18, %reduce_min3A_19 [0] : vector<8x128xf32> to vector<128xf32>
    %broadcast_in_dim3A_21 = vector.shape_cast %reduce_min3A_20 : vector<128xf32> to vector<1x128xf32>
    %slice3A_22 = vector.extract_strided_slice %broadcast_in_dim3A_21 {offsets = [0, 96], sizes = [1, 32], strides = [1, 1]} : vector<1x128xf32> to vector<1x32xf32>
    %slice3A_23 = vector.extract_strided_slice %broadcast_in_dim3A_21 {offsets = [0, 0], sizes = [1, 96], strides = [1, 1]} : vector<1x128xf32> to vector<1x96xf32>
    %concatenate3A_24 = tpu.concatenate %slice3A_22, %slice3A_23 in 1 : vector<1x32xf32>, vector<1x96xf32> -> vector<1x128xf32>
    %min3A_25 = arith.minimumf %broadcast_in_dim3A_21, %concatenate3A_24 : vector<1x128xf32>
    %slice3A_26 = vector.extract_strided_slice %min3A_25 {offsets = [0, 64], sizes = [1, 64], strides = [1, 1]} : vector<1x128xf32> to vector<1x64xf32>
    %slice3A_27 = vector.extract_strided_slice %min3A_25 {offsets = [0, 0], sizes = [1, 64], strides = [1, 1]} : vector<1x128xf32> to vector<1x64xf32>
    %concatenate3A_28 = tpu.concatenate %slice3A_26, %slice3A_27 in 1 : vector<1x64xf32>, vector<1x64xf32> -> vector<1x128xf32>
    %min3A_29 = arith.minimumf %min3A_25, %concatenate3A_28 : vector<1x128xf32>
    %gt3A_30 = vector.broadcast %min3A_29 : vector<1x128xf32> to vector<8x128xf32>
    %gt3A_31 = arith.cmpf ogt, %get3A_3, %gt3A_30 : vector<8x128xf32>
    %jit3A_32 = arith.constant 1.000000e+09 : f32
    %broadcast_in_dim3A_33 = vector.broadcast %jit3A_32 : f32 to vector<8x128xf32>
    %select_n3A_34 = arith.select %gt3A_31, %get3A_3, %broadcast_in_dim3A_33 : vector<8x128xi1>, vector<8x128xf32>
    %reduce_min3A_35 = arith.constant dense<0x7F800000> : vector<128xf32>
    %reduce_min3A_36 = vector.multi_reduction <minimumf>, %select_n3A_34, %reduce_min3A_35 [0] : vector<8x128xf32> to vector<128xf32>
    %broadcast_in_dim3A_37 = vector.shape_cast %reduce_min3A_36 : vector<128xf32> to vector<1x128xf32>
    %slice3A_38 = vector.extract_strided_slice %broadcast_in_dim3A_37 {offsets = [0, 96], sizes = [1, 32], strides = [1, 1]} : vector<1x128xf32> to vector<1x32xf32>
    %slice3A_39 = vector.extract_strided_slice %broadcast_in_dim3A_37 {offsets = [0, 0], sizes = [1, 96], strides = [1, 1]} : vector<1x128xf32> to vector<1x96xf32>
    %concatenate3A_40 = tpu.concatenate %slice3A_38, %slice3A_39 in 1 : vector<1x32xf32>, vector<1x96xf32> -> vector<1x128xf32>
    %min3A_41 = arith.minimumf %broadcast_in_dim3A_37, %concatenate3A_40 : vector<1x128xf32>
    %slice3A_42 = vector.extract_strided_slice %min3A_41 {offsets = [0, 64], sizes = [1, 64], strides = [1, 1]} : vector<1x128xf32> to vector<1x64xf32>
    %slice3A_43 = vector.extract_strided_slice %min3A_41 {offsets = [0, 0], sizes = [1, 64], strides = [1, 1]} : vector<1x128xf32> to vector<1x64xf32>
    %concatenate3A_44 = tpu.concatenate %slice3A_42, %slice3A_43 in 1 : vector<1x64xf32>, vector<1x64xf32> -> vector<1x128xf32>
    %min3A_45 = arith.minimumf %min3A_41, %concatenate3A_44 : vector<1x128xf32>
    %gt3A_46 = vector.broadcast %min3A_45 : vector<1x128xf32> to vector<8x128xf32>
    %gt3A_47 = arith.cmpf ogt, %get3A_3, %gt3A_46 : vector<8x128xf32>
    %jit3A_48 = arith.constant 1.000000e+09 : f32
    %broadcast_in_dim3A_49 = vector.broadcast %jit3A_48 : f32 to vector<8x128xf32>
    %select_n3A_50 = arith.select %gt3A_47, %get3A_3, %broadcast_in_dim3A_49 : vector<8x128xi1>, vector<8x128xf32>
    %reduce_min3A_51 = arith.constant dense<0x7F800000> : vector<128xf32>
    %reduce_min3A_52 = vector.multi_reduction <minimumf>, %select_n3A_50, %reduce_min3A_51 [0] : vector<8x128xf32> to vector<128xf32>
    %broadcast_in_dim3A_53 = vector.shape_cast %reduce_min3A_52 : vector<128xf32> to vector<1x128xf32>
    %slice3A_54 = vector.extract_strided_slice %broadcast_in_dim3A_53 {offsets = [0, 96], sizes = [1, 32], strides = [1, 1]} : vector<1x128xf32> to vector<1x32xf32>
    %slice3A_55 = vector.extract_strided_slice %broadcast_in_dim3A_53 {offsets = [0, 0], sizes = [1, 96], strides = [1, 1]} : vector<1x128xf32> to vector<1x96xf32>
    %concatenate3A_56 = tpu.concatenate %slice3A_54, %slice3A_55 in 1 : vector<1x32xf32>, vector<1x96xf32> -> vector<1x128xf32>
    %min3A_57 = arith.minimumf %broadcast_in_dim3A_53, %concatenate3A_56 : vector<1x128xf32>
    %slice3A_58 = vector.extract_strided_slice %min3A_57 {offsets = [0, 64], sizes = [1, 64], strides = [1, 1]} : vector<1x128xf32> to vector<1x64xf32>
    %slice3A_59 = vector.extract_strided_slice %min3A_57 {offsets = [0, 0], sizes = [1, 64], strides = [1, 1]} : vector<1x128xf32> to vector<1x64xf32>
    %concatenate3A_60 = tpu.concatenate %slice3A_58, %slice3A_59 in 1 : vector<1x64xf32>, vector<1x64xf32> -> vector<1x128xf32>
    %min3A_61 = arith.minimumf %min3A_57, %concatenate3A_60 : vector<1x128xf32>
    %gt3A_62 = vector.broadcast %min3A_61 : vector<1x128xf32> to vector<8x128xf32>
    %gt3A_63 = arith.cmpf ogt, %get3A_3, %gt3A_62 : vector<8x128xf32>
    %jit3A_64 = arith.constant 1.000000e+09 : f32
    %broadcast_in_dim3A_65 = vector.broadcast %jit3A_64 : f32 to vector<8x128xf32>
    %select_n3A_66 = arith.select %gt3A_63, %get3A_3, %broadcast_in_dim3A_65 : vector<8x128xi1>, vector<8x128xf32>
    %reduce_min3A_67 = arith.constant dense<0x7F800000> : vector<128xf32>
    %reduce_min3A_68 = vector.multi_reduction <minimumf>, %select_n3A_66, %reduce_min3A_67 [0] : vector<8x128xf32> to vector<128xf32>
    %broadcast_in_dim3A_69 = vector.shape_cast %reduce_min3A_68 : vector<128xf32> to vector<1x128xf32>
    %slice3A_70 = vector.extract_strided_slice %broadcast_in_dim3A_69 {offsets = [0, 96], sizes = [1, 32], strides = [1, 1]} : vector<1x128xf32> to vector<1x32xf32>
    %slice3A_71 = vector.extract_strided_slice %broadcast_in_dim3A_69 {offsets = [0, 0], sizes = [1, 96], strides = [1, 1]} : vector<1x128xf32> to vector<1x96xf32>
    %concatenate3A_72 = tpu.concatenate %slice3A_70, %slice3A_71 in 1 : vector<1x32xf32>, vector<1x96xf32> -> vector<1x128xf32>
    %min3A_73 = arith.minimumf %broadcast_in_dim3A_69, %concatenate3A_72 : vector<1x128xf32>
    %slice3A_74 = vector.extract_strided_slice %min3A_73 {offsets = [0, 64], sizes = [1, 64], strides = [1, 1]} : vector<1x128xf32> to vector<1x64xf32>
    %slice3A_75 = vector.extract_strided_slice %min3A_73 {offsets = [0, 0], sizes = [1, 64], strides = [1, 1]} : vector<1x128xf32> to vector<1x64xf32>
    %concatenate3A_76 = tpu.concatenate %slice3A_74, %slice3A_75 in 1 : vector<1x64xf32>, vector<1x64xf32> -> vector<1x128xf32>
    %min3A_77 = arith.minimumf %min3A_73, %concatenate3A_76 : vector<1x128xf32>
    %concatenate3A_78 = tpu.concatenate %min3A_13, %min3A_29, %min3A_45, %min3A_61, %min3A_77, %min3A_13, %min3A_29, %min3A_45 in 0 : vector<1x128xf32>, vector<1x128xf32>, vector<1x128xf32>, vector<1x128xf32>, vector<1x128xf32>, vector<1x128xf32>, vector<1x128xf32>, vector<1x128xf32> -> vector<8x128xf32>
    %div3A = arith.constant 1.310720e+05 : f32
    %div3A_79 = vector.broadcast %div3A : f32 to vector<8x128xf32>
    %div3A_80 = arith.divf %concatenate3A_78, %div3A_79 : vector<8x128xf32>
    %floor3A = math.floor %div3A_80 : vector<8x128xf32>
    %mul3A = arith.constant 1.310720e+05 : f32
    %mul3A_81 = vector.broadcast %mul3A : f32 to vector<8x128xf32>
    %mul3A_82 = arith.mulf %floor3A, %mul3A_81 : vector<8x128xf32>
    %sub3A = arith.subf %concatenate3A_78, %mul3A_82 : vector<8x128xf32>
    %mul3A_83 = arith.constant 65536 : i32
    %mul3A_84 = arith.muli %arg0, %mul3A_83 : i32
    %convert_element_type3A = arith.sitofp %mul3A_84 : i32 to f32
    %iota3A = tpu.iota {dimensions = array<i32: 0>} : vector<8x128xi32>
    %lt3A = arith.constant 5 : i32
    %lt3A_85 = vector.broadcast %lt3A : i32 to vector<8x128xi32>
    %lt3A_86 = arith.cmpi slt, %iota3A, %lt3A_85 : vector<8x128xi32>
    %add3A = vector.broadcast %convert_element_type3A : f32 to vector<8x128xf32>
    %add3A_87 = arith.addf %sub3A, %add3A : vector<8x128xf32>
    %broadcast_in_dim3A_88 = vector.broadcast %convert_element_type3A : f32 to vector<8x128xf32>
    %select_n3A_89 = arith.select %lt3A_86, %add3A_87, %broadcast_in_dim3A_88 : vector<8x128xi1>, vector<8x128xf32>
    %slice3A_90 = vector.extract_strided_slice %select_n3A_89 {offsets = [0, 0], sizes = [8, 32], strides = [1, 1]} : vector<8x128xf32> to vector<8x32xf32>
    %convert_element_type3A_91 = arith.fptosi %slice3A_90 : vector<8x32xf32> to vector<8x32xi32>
    %swap3A = arith.constant 0 : index
    %swap3A_92 = arith.constant 0 : index
    %swap3A_93 = arith.constant 0 : index
    %swap3A_94 = vector.load %arg2[%swap3A, %swap3A_92, %swap3A_93] : memref<1x8x32xi32, #tpu.memory_space<vmem>>, vector<1x8x32xi32>
    %swap3A_95 = vector.shape_cast %swap3A_94 : vector<1x8x32xi32> to vector<8x32xi32>
    %swap3A_96 = vector.shape_cast %convert_element_type3A_91 : vector<8x32xi32> to vector<1x8x32xi32>
    tpu.vector_store %arg2[%swap3A, %swap3A_92, %swap3A_93], %swap3A_96 {strides = array<i32>} : memref<1x8x32xi32, #tpu.memory_space<vmem>>, vector<1x8x32xi32>,
    return
  }
  func.func @transform_0(%arg0: i32) -> (i32, i32, i32) {
    %c0_i32 = arith.constant 0 : i32
    %c0_i32_0 = arith.constant 0 : i32
    %c0_i32_1 = arith.constant 0 : i32
    return %arg0, %c0_i32, %c0_i32_0 : i32, i32, i32
  }
  func.func @transform_1(%arg0: i32) -> (i32, i32, i32) {
    %c0_i32 = arith.constant 0 : i32
    %c0_i32_0 = arith.constant 0 : i32
    %c0_i32_1 = arith.constant 0 : i32
    return %arg0, %c0_i32, %c0_i32_0 : i32, i32, i32
  }
}

module attributes {stable_mosaic.version = 14 : i64} {
  func.func @_attn_body(%arg0: i32, %arg1: memref<1x256x128xf32, #tpu.memory_space<vmem>>, %arg2: memref<1x128xf32, #tpu.memory_space<vmem>>, %arg3: memref<8x128xf32, #tpu.memory_space<vmem>>, %arg4: memref<4x8xf32, #tpu.memory_space<vmem>>, %arg5: memref<8x1xf32, #tpu.memory_space<vmem>>, %arg6: memref<128x256xf32, #tpu.memory_space<vmem>>, %arg7: memref<1x256xf32, #tpu.memory_space<vmem>>, %arg8: memref<128x256xf32, #tpu.memory_space<vmem>>, %arg9: memref<1x256xf32, #tpu.memory_space<vmem>>, %arg10: memref<128x256xf32, #tpu.memory_space<vmem>>, %arg11: memref<1x256xf32, #tpu.memory_space<vmem>>, %arg12: memref<256x128xf32, #tpu.memory_space<vmem>>, %arg13: memref<1x128xf32, #tpu.memory_space<vmem>>, %arg14: memref<1x8x128xf32, #tpu.memory_space<vmem>>, %arg15: memref<1x32x8xf32, #tpu.memory_space<vmem>>) attributes {dimension_semantics = [#tpu.dimension_semantics<arbitrary>], iteration_bounds = array<i64: 4>, scalar_prefetch = 0 : i64, scratch_operands = 0 : i64, tpu.core_type = #tpu.core_type<tc>, window_params = [{transform_indices = @transform_0, window_bounds = array<i64: 1, 256, 128>}, {pipeline_mode = #tpu.pipeline_mode<synchronous>, transform_indices = @transform_1, window_bounds = array<i64: 1, 128>}, {pipeline_mode = #tpu.pipeline_mode<synchronous>, transform_indices = @transform_2, window_bounds = array<i64: 8, 128>}, {pipeline_mode = #tpu.pipeline_mode<synchronous>, transform_indices = @transform_3, window_bounds = array<i64: 4, 8>}, {pipeline_mode = #tpu.pipeline_mode<synchronous>, transform_indices = @transform_4, window_bounds = array<i64: 8, 1>}, {pipeline_mode = #tpu.pipeline_mode<synchronous>, transform_indices = @transform_5, window_bounds = array<i64: 128, 256>}, {pipeline_mode = #tpu.pipeline_mode<synchronous>, transform_indices = @transform_6, window_bounds = array<i64: 1, 256>}, {pipeline_mode = #tpu.pipeline_mode<synchronous>, transform_indices = @transform_7, window_bounds = array<i64: 128, 256>}, {pipeline_mode = #tpu.pipeline_mode<synchronous>, transform_indices = @transform_8, window_bounds = array<i64: 1, 256>}, {pipeline_mode = #tpu.pipeline_mode<synchronous>, transform_indices = @transform_9, window_bounds = array<i64: 128, 256>}, {pipeline_mode = #tpu.pipeline_mode<synchronous>, transform_indices = @transform_10, window_bounds = array<i64: 1, 256>}, {pipeline_mode = #tpu.pipeline_mode<synchronous>, transform_indices = @transform_11, window_bounds = array<i64: 256, 128>}, {pipeline_mode = #tpu.pipeline_mode<synchronous>, transform_indices = @transform_12, window_bounds = array<i64: 1, 128>}, {transform_indices = @transform_13, window_bounds = array<i64: 1, 8, 128>}, {transform_indices = @transform_14, window_bounds = array<i64: 1, 32, 8>}]} {
    %get3A = arith.constant 0 : index
    %get3A_0 = arith.constant 0 : index
    %get3A_1 = vector.load %arg3[%get3A, %get3A_0] : memref<8x128xf32, #tpu.memory_space<vmem>>, vector<1x128xf32>
    %get3A_2 = arith.constant 0 : index
    %get3A_3 = arith.constant 0 : index
    %get3A_4 = vector.load %arg5[%get3A_2, %get3A_3] : memref<8x1xf32, #tpu.memory_space<vmem>>, vector<1x1xf32>
    %mul3A = vector.broadcast %get3A_4 : vector<1x1xf32> to vector<1x128xf32>
    %mul3A_5 = arith.mulf %get3A_1, %mul3A : vector<1x128xf32>
    %get3A_6 = arith.constant 0 : index
    %get3A_7 = arith.constant 0 : index
    %get3A_8 = vector.load %arg2[%get3A_6, %get3A_7] : memref<1x128xf32, #tpu.memory_space<vmem>>, vector<1x128xf32>
    %get3A_9 = arith.constant 0 : index
    %get3A_10 = arith.constant 0 : index
    %get3A_11 = vector.load %arg4[%get3A_9, %get3A_10] : memref<4x8xf32, #tpu.memory_space<vmem>>, vector<4x1xf32>
    %mul3A_12 = vector.broadcast %mul3A_5 : vector<1x128xf32> to vector<4x128xf32>
    %mul3A_13 = vector.broadcast %get3A_11 : vector<4x1xf32> to vector<4x128xf32>
    %mul3A_14 = arith.mulf %mul3A_12, %mul3A_13 : vector<4x128xf32>
    %add3A = vector.broadcast %get3A_8 : vector<1x128xf32> to vector<4x128xf32>
    %add3A_15 = arith.addf %add3A, %mul3A_14 : vector<4x128xf32>
    %get3A_16 = arith.constant 1 : index
    %get3A_17 = arith.constant 0 : index
    %get3A_18 = vector.load %arg3[%get3A_16, %get3A_17] : memref<8x128xf32, #tpu.memory_space<vmem>>, vector<1x128xf32>
    %get3A_19 = arith.constant 1 : index
    %get3A_20 = arith.constant 0 : index
    %get3A_21 = vector.load %arg5[%get3A_19, %get3A_20] : memref<8x1xf32, #tpu.memory_space<vmem>>, vector<1x1xf32>
    %mul3A_22 = vector.broadcast %get3A_21 : vector<1x1xf32> to vector<1x128xf32>
    %mul3A_23 = arith.mulf %get3A_18, %mul3A_22 : vector<1x128xf32>
    %get3A_24 = arith.constant 0 : index
    %get3A_25 = arith.constant 0 : index
    %get3A_26 = vector.load %arg2[%get3A_24, %get3A_25] : memref<1x128xf32, #tpu.memory_space<vmem>>, vector<1x128xf32>
    %get3A_27 = arith.constant 0 : index
    %get3A_28 = arith.constant 1 : index
    %get3A_29 = vector.load %arg4[%get3A_27, %get3A_28] : memref<4x8xf32, #tpu.memory_space<vmem>>, vector<4x1xf32>
    %mul3A_30 = vector.broadcast %mul3A_23 : vector<1x128xf32> to vector<4x128xf32>
    %mul3A_31 = vector.broadcast %get3A_29 : vector<4x1xf32> to vector<4x128xf32>
    %mul3A_32 = arith.mulf %mul3A_30, %mul3A_31 : vector<4x128xf32>
    %add3A_33 = vector.broadcast %get3A_26 : vector<1x128xf32> to vector<4x128xf32>
    %add3A_34 = arith.addf %add3A_33, %mul3A_32 : vector<4x128xf32>
    %get3A_35 = arith.constant 2 : index
    %get3A_36 = arith.constant 0 : index
    %get3A_37 = vector.load %arg3[%get3A_35, %get3A_36] : memref<8x128xf32, #tpu.memory_space<vmem>>, vector<1x128xf32>
    %get3A_38 = arith.constant 2 : index
    %get3A_39 = arith.constant 0 : index
    %get3A_40 = vector.load %arg5[%get3A_38, %get3A_39] : memref<8x1xf32, #tpu.memory_space<vmem>>, vector<1x1xf32>
    %mul3A_41 = vector.broadcast %get3A_40 : vector<1x1xf32> to vector<1x128xf32>
    %mul3A_42 = arith.mulf %get3A_37, %mul3A_41 : vector<1x128xf32>
    %get3A_43 = arith.constant 0 : index
    %get3A_44 = arith.constant 0 : index
    %get3A_45 = vector.load %arg2[%get3A_43, %get3A_44] : memref<1x128xf32, #tpu.memory_space<vmem>>, vector<1x128xf32>
    %get3A_46 = arith.constant 0 : index
    %get3A_47 = arith.constant 2 : index
    %get3A_48 = vector.load %arg4[%get3A_46, %get3A_47] : memref<4x8xf32, #tpu.memory_space<vmem>>, vector<4x1xf32>
    %mul3A_49 = vector.broadcast %mul3A_42 : vector<1x128xf32> to vector<4x128xf32>
    %mul3A_50 = vector.broadcast %get3A_48 : vector<4x1xf32> to vector<4x128xf32>
    %mul3A_51 = arith.mulf %mul3A_49, %mul3A_50 : vector<4x128xf32>
    %add3A_52 = vector.broadcast %get3A_45 : vector<1x128xf32> to vector<4x128xf32>
    %add3A_53 = arith.addf %add3A_52, %mul3A_51 : vector<4x128xf32>
    %get3A_54 = arith.constant 3 : index
    %get3A_55 = arith.constant 0 : index
    %get3A_56 = vector.load %arg3[%get3A_54, %get3A_55] : memref<8x128xf32, #tpu.memory_space<vmem>>, vector<1x128xf32>
    %get3A_57 = arith.constant 3 : index
    %get3A_58 = arith.constant 0 : index
    %get3A_59 = vector.load %arg5[%get3A_57, %get3A_58] : memref<8x1xf32, #tpu.memory_space<vmem>>, vector<1x1xf32>
    %mul3A_60 = vector.broadcast %get3A_59 : vector<1x1xf32> to vector<1x128xf32>
    %mul3A_61 = arith.mulf %get3A_56, %mul3A_60 : vector<1x128xf32>
    %get3A_62 = arith.constant 0 : index
    %get3A_63 = arith.constant 0 : index
    %get3A_64 = vector.load %arg2[%get3A_62, %get3A_63] : memref<1x128xf32, #tpu.memory_space<vmem>>, vector<1x128xf32>
    %get3A_65 = arith.constant 0 : index
    %get3A_66 = arith.constant 3 : index
    %get3A_67 = vector.load %arg4[%get3A_65, %get3A_66] : memref<4x8xf32, #tpu.memory_space<vmem>>, vector<4x1xf32>
    %mul3A_68 = vector.broadcast %mul3A_61 : vector<1x128xf32> to vector<4x128xf32>
    %mul3A_69 = vector.broadcast %get3A_67 : vector<4x1xf32> to vector<4x128xf32>
    %mul3A_70 = arith.mulf %mul3A_68, %mul3A_69 : vector<4x128xf32>
    %add3A_71 = vector.broadcast %get3A_64 : vector<1x128xf32> to vector<4x128xf32>
    %add3A_72 = arith.addf %add3A_71, %mul3A_70 : vector<4x128xf32>
    %get3A_73 = arith.constant 4 : index
    %get3A_74 = arith.constant 0 : index
    %get3A_75 = vector.load %arg3[%get3A_73, %get3A_74] : memref<8x128xf32, #tpu.memory_space<vmem>>, vector<1x128xf32>
    %get3A_76 = arith.constant 4 : index
    %get3A_77 = arith.constant 0 : index
    %get3A_78 = vector.load %arg5[%get3A_76, %get3A_77] : memref<8x1xf32, #tpu.memory_space<vmem>>, vector<1x1xf32>
    %mul3A_79 = vector.broadcast %get3A_78 : vector<1x1xf32> to vector<1x128xf32>
    %mul3A_80 = arith.mulf %get3A_75, %mul3A_79 : vector<1x128xf32>
    %get3A_81 = arith.constant 0 : index
    %get3A_82 = arith.constant 0 : index
    %get3A_83 = vector.load %arg2[%get3A_81, %get3A_82] : memref<1x128xf32, #tpu.memory_space<vmem>>, vector<1x128xf32>
    %get3A_84 = arith.constant 0 : index
    %get3A_85 = arith.constant 4 : index
    %get3A_86 = vector.load %arg4[%get3A_84, %get3A_85] : memref<4x8xf32, #tpu.memory_space<vmem>>, vector<4x1xf32>
    %mul3A_87 = vector.broadcast %mul3A_80 : vector<1x128xf32> to vector<4x128xf32>
    %mul3A_88 = vector.broadcast %get3A_86 : vector<4x1xf32> to vector<4x128xf32>
    %mul3A_89 = arith.mulf %mul3A_87, %mul3A_88 : vector<4x128xf32>
    %add3A_90 = vector.broadcast %get3A_83 : vector<1x128xf32> to vector<4x128xf32>
    %add3A_91 = arith.addf %add3A_90, %mul3A_89 : vector<4x128xf32>
    %get3A_92 = arith.constant 5 : index
    %get3A_93 = arith.constant 0 : index
    %get3A_94 = vector.load %arg3[%get3A_92, %get3A_93] : memref<8x128xf32, #tpu.memory_space<vmem>>, vector<1x128xf32>
    %get3A_95 = arith.constant 5 : index
    %get3A_96 = arith.constant 0 : index
    %get3A_97 = vector.load %arg5[%get3A_95, %get3A_96] : memref<8x1xf32, #tpu.memory_space<vmem>>, vector<1x1xf32>
    %mul3A_98 = vector.broadcast %get3A_97 : vector<1x1xf32> to vector<1x128xf32>
    %mul3A_99 = arith.mulf %get3A_94, %mul3A_98 : vector<1x128xf32>
    %get3A_100 = arith.constant 0 : index
    %get3A_101 = arith.constant 0 : index
    %get3A_102 = vector.load %arg2[%get3A_100, %get3A_101] : memref<1x128xf32, #tpu.memory_space<vmem>>, vector<1x128xf32>
    %get3A_103 = arith.constant 0 : index
    %get3A_104 = arith.constant 5 : index
    %get3A_105 = vector.load %arg4[%get3A_103, %get3A_104] : memref<4x8xf32, #tpu.memory_space<vmem>>, vector<4x1xf32>
    %mul3A_106 = vector.broadcast %mul3A_99 : vector<1x128xf32> to vector<4x128xf32>
    %mul3A_107 = vector.broadcast %get3A_105 : vector<4x1xf32> to vector<4x128xf32>
    %mul3A_108 = arith.mulf %mul3A_106, %mul3A_107 : vector<4x128xf32>
    %add3A_109 = vector.broadcast %get3A_102 : vector<1x128xf32> to vector<4x128xf32>
    %add3A_110 = arith.addf %add3A_109, %mul3A_108 : vector<4x128xf32>
    %get3A_111 = arith.constant 6 : index
    %get3A_112 = arith.constant 0 : index
    %get3A_113 = vector.load %arg3[%get3A_111, %get3A_112] : memref<8x128xf32, #tpu.memory_space<vmem>>, vector<1x128xf32>
    %get3A_114 = arith.constant 6 : index
    %get3A_115 = arith.constant 0 : index
    %get3A_116 = vector.load %arg5[%get3A_114, %get3A_115] : memref<8x1xf32, #tpu.memory_space<vmem>>, vector<1x1xf32>
    %mul3A_117 = vector.broadcast %get3A_116 : vector<1x1xf32> to vector<1x128xf32>
    %mul3A_118 = arith.mulf %get3A_113, %mul3A_117 : vector<1x128xf32>
    %get3A_119 = arith.constant 0 : index
    %get3A_120 = arith.constant 0 : index
    %get3A_121 = vector.load %arg2[%get3A_119, %get3A_120] : memref<1x128xf32, #tpu.memory_space<vmem>>, vector<1x128xf32>
    %get3A_122 = arith.constant 0 : index
    %get3A_123 = arith.constant 6 : index
    %get3A_124 = vector.load %arg4[%get3A_122, %get3A_123] : memref<4x8xf32, #tpu.memory_space<vmem>>, vector<4x1xf32>
    %mul3A_125 = vector.broadcast %mul3A_118 : vector<1x128xf32> to vector<4x128xf32>
    %mul3A_126 = vector.broadcast %get3A_124 : vector<4x1xf32> to vector<4x128xf32>
    %mul3A_127 = arith.mulf %mul3A_125, %mul3A_126 : vector<4x128xf32>
    %add3A_128 = vector.broadcast %get3A_121 : vector<1x128xf32> to vector<4x128xf32>
    %add3A_129 = arith.addf %add3A_128, %mul3A_127 : vector<4x128xf32>
    %get3A_130 = arith.constant 7 : index
    %get3A_131 = arith.constant 0 : index
    %get3A_132 = vector.load %arg3[%get3A_130, %get3A_131] : memref<8x128xf32, #tpu.memory_space<vmem>>, vector<1x128xf32>
    %get3A_133 = arith.constant 7 : index
    %get3A_134 = arith.constant 0 : index
    %get3A_135 = vector.load %arg5[%get3A_133, %get3A_134] : memref<8x1xf32, #tpu.memory_space<vmem>>, vector<1x1xf32>
    %mul3A_136 = vector.broadcast %get3A_135 : vector<1x1xf32> to vector<1x128xf32>
    %mul3A_137 = arith.mulf %get3A_132, %mul3A_136 : vector<1x128xf32>
    %get3A_138 = arith.constant 0 : index
    %get3A_139 = arith.constant 0 : index
    %get3A_140 = vector.load %arg2[%get3A_138, %get3A_139] : memref<1x128xf32, #tpu.memory_space<vmem>>, vector<1x128xf32>
    %get3A_141 = arith.constant 0 : index
    %get3A_142 = arith.constant 7 : index
    %get3A_143 = vector.load %arg4[%get3A_141, %get3A_142] : memref<4x8xf32, #tpu.memory_space<vmem>>, vector<4x1xf32>
    %mul3A_144 = vector.broadcast %mul3A_137 : vector<1x128xf32> to vector<4x128xf32>
    %mul3A_145 = vector.broadcast %get3A_143 : vector<4x1xf32> to vector<4x128xf32>
    %mul3A_146 = arith.mulf %mul3A_144, %mul3A_145 : vector<4x128xf32>
    %add3A_147 = vector.broadcast %get3A_140 : vector<1x128xf32> to vector<4x128xf32>
    %add3A_148 = arith.addf %add3A_147, %mul3A_146 : vector<4x128xf32>
    %concatenate3A = tpu.concatenate %add3A_15, %add3A_34, %add3A_53, %add3A_72, %add3A_91, %add3A_110, %add3A_129, %add3A_148 in 0 : vector<4x128xf32>, vector<4x128xf32>, vector<4x128xf32>, vector<4x128xf32>, vector<4x128xf32>, vector<4x128xf32>, vector<4x128xf32>, vector<4x128xf32> -> vector<32x128xf32>
    %get3A_149 = arith.constant 0 : index
    %get3A_150 = arith.constant 0 : index
    %get3A_151 = vector.load %arg6[%get3A_149, %get3A_150] : memref<128x256xf32, #tpu.memory_space<vmem>>, vector<128x256xf32>
    %dot_general3A = arith.constant dense<0.000000e+00> : vector<32x256xf32>
    %dot_general3A_152 = tpu.matmul %concatenate3A, %get3A_151, %dot_general3A {dimension_numbers = #tpu.dot_dimension_numbers<[1], [0], [0], [1], [0, 0, 1, 1], [], []>, transpose_lhs_hint = false} : vector<32x128xf32>, vector<128x256xf32>, vector<32x256xf32> -> vector<32x256xf32>
    %get3A_153 = arith.constant 0 : index
    %get3A_154 = arith.constant 0 : index
    %get3A_155 = vector.load %arg7[%get3A_153, %get3A_154] : memref<1x256xf32, #tpu.memory_space<vmem>>, vector<1x256xf32>
    %add3A_156 = vector.broadcast %get3A_155 : vector<1x256xf32> to vector<32x256xf32>
    %add3A_157 = arith.addf %dot_general3A_152, %add3A_156 : vector<32x256xf32>
    %get3A_158 = arith.constant 0 : index
    %get3A_159 = arith.constant 0 : index
    %get3A_160 = arith.constant 0 : index
    %get3A_161 = vector.load %arg1[%get3A_158, %get3A_159, %get3A_160] : memref<1x256x128xf32, #tpu.memory_space<vmem>>, vector<1x32x128xf32>
    %get3A_162 = vector.shape_cast %get3A_161 : vector<1x32x128xf32> to vector<32x128xf32>
    %get3A_163 = arith.constant 0 : index
    %get3A_164 = arith.constant 32 : index
    %get3A_165 = arith.constant 0 : index
    %get3A_166 = vector.load %arg1[%get3A_163, %get3A_164, %get3A_165] : memref<1x256x128xf32, #tpu.memory_space<vmem>>, vector<1x32x128xf32>
    %get3A_167 = vector.shape_cast %get3A_166 : vector<1x32x128xf32> to vector<32x128xf32>
    %get3A_168 = arith.constant 0 : index
    %get3A_169 = arith.constant 64 : index
    %get3A_170 = arith.constant 0 : index
    %get3A_171 = vector.load %arg1[%get3A_168, %get3A_169, %get3A_170] : memref<1x256x128xf32, #tpu.memory_space<vmem>>, vector<1x32x128xf32>
    %get3A_172 = vector.shape_cast %get3A_171 : vector<1x32x128xf32> to vector<32x128xf32>
    %get3A_173 = arith.constant 0 : index
    %get3A_174 = arith.constant 96 : index
    %get3A_175 = arith.constant 0 : index
    %get3A_176 = vector.load %arg1[%get3A_173, %get3A_174, %get3A_175] : memref<1x256x128xf32, #tpu.memory_space<vmem>>, vector<1x32x128xf32>
    %get3A_177 = vector.shape_cast %get3A_176 : vector<1x32x128xf32> to vector<32x128xf32>
    %get3A_178 = arith.constant 0 : index
    %get3A_179 = arith.constant 128 : index
    %get3A_180 = arith.constant 0 : index
    %get3A_181 = vector.load %arg1[%get3A_178, %get3A_179, %get3A_180] : memref<1x256x128xf32, #tpu.memory_space<vmem>>, vector<1x32x128xf32>
    %get3A_182 = vector.shape_cast %get3A_181 : vector<1x32x128xf32> to vector<32x128xf32>
    %get3A_183 = arith.constant 0 : index
    %get3A_184 = arith.constant 0 : index
    %get3A_185 = vector.load %arg8[%get3A_183, %get3A_184] : memref<128x256xf32, #tpu.memory_space<vmem>>, vector<128x256xf32>
    %dot_general3A_186 = arith.constant dense<0.000000e+00> : vector<32x256xf32>
    %dot_general3A_187 = tpu.matmul %get3A_162, %get3A_185, %dot_general3A_186 {dimension_numbers = #tpu.dot_dimension_numbers<[1], [0], [0], [1], [0, 0, 1, 1], [], []>, transpose_lhs_hint = false} : vector<32x128xf32>, vector<128x256xf32>, vector<32x256xf32> -> vector<32x256xf32>
    %get3A_188 = arith.constant 0 : index
    %get3A_189 = arith.constant 0 : index
    %get3A_190 = vector.load %arg9[%get3A_188, %get3A_189] : memref<1x256xf32, #tpu.memory_space<vmem>>, vector<1x256xf32>
    %add3A_191 = vector.broadcast %get3A_190 : vector<1x256xf32> to vector<32x256xf32>
    %add3A_192 = arith.addf %dot_general3A_187, %add3A_191 : vector<32x256xf32>
    %mul3A_193 = arith.mulf %add3A_157, %add3A_192 : vector<32x256xf32>
    %reduce_sum3A = arith.constant dense<0.000000e+00> : vector<32xf32>
    %reduce_sum3A_194 = vector.multi_reduction <add>, %mul3A_193, %reduce_sum3A [1] : vector<32x256xf32> to vector<32xf32>
    %broadcast_in_dim3A = vector.shape_cast %reduce_sum3A_194 : vector<32xf32> to vector<32x1xf32>
    %mul3A_195 = arith.constant 6.250000e-02 : f32
    %mul3A_196 = vector.broadcast %mul3A_195 : f32 to vector<32x1xf32>
    %mul3A_197 = arith.mulf %broadcast_in_dim3A, %mul3A_196 : vector<32x1xf32>
    %get3A_198 = arith.constant 0 : index
    %get3A_199 = arith.constant 0 : index
    %get3A_200 = vector.load %arg8[%get3A_198, %get3A_199] : memref<128x256xf32, #tpu.memory_space<vmem>>, vector<128x256xf32>
    %dot_general3A_201 = arith.constant dense<0.000000e+00> : vector<32x256xf32>
    %dot_general3A_202 = tpu.matmul %get3A_167, %get3A_200, %dot_general3A_201 {dimension_numbers = #tpu.dot_dimension_numbers<[1], [0], [0], [1], [0, 0, 1, 1], [], []>, transpose_lhs_hint = false} : vector<32x128xf32>, vector<128x256xf32>, vector<32x256xf32> -> vector<32x256xf32>
    %get3A_203 = arith.constant 0 : index
    %get3A_204 = arith.constant 0 : index
    %get3A_205 = vector.load %arg9[%get3A_203, %get3A_204] : memref<1x256xf32, #tpu.memory_space<vmem>>, vector<1x256xf32>
    %add3A_206 = vector.broadcast %get3A_205 : vector<1x256xf32> to vector<32x256xf32>
    %add3A_207 = arith.addf %dot_general3A_202, %add3A_206 : vector<32x256xf32>
    %mul3A_208 = arith.mulf %add3A_157, %add3A_207 : vector<32x256xf32>
    %reduce_sum3A_209 = arith.constant dense<0.000000e+00> : vector<32xf32>
    %reduce_sum3A_210 = vector.multi_reduction <add>, %mul3A_208, %reduce_sum3A_209 [1] : vector<32x256xf32> to vector<32xf32>
    %broadcast_in_dim3A_211 = vector.shape_cast %reduce_sum3A_210 : vector<32xf32> to vector<32x1xf32>
    %mul3A_212 = arith.constant 6.250000e-02 : f32
    %mul3A_213 = vector.broadcast %mul3A_212 : f32 to vector<32x1xf32>
    %mul3A_214 = arith.mulf %broadcast_in_dim3A_211, %mul3A_213 : vector<32x1xf32>
    %get3A_215 = arith.constant 0 : index
    %get3A_216 = arith.constant 0 : index
    %get3A_217 = vector.load %arg8[%get3A_215, %get3A_216] : memref<128x256xf32, #tpu.memory_space<vmem>>, vector<128x256xf32>
    %dot_general3A_218 = arith.constant dense<0.000000e+00> : vector<32x256xf32>
    %dot_general3A_219 = tpu.matmul %get3A_172, %get3A_217, %dot_general3A_218 {dimension_numbers = #tpu.dot_dimension_numbers<[1], [0], [0], [1], [0, 0, 1, 1], [], []>, transpose_lhs_hint = false} : vector<32x128xf32>, vector<128x256xf32>, vector<32x256xf32> -> vector<32x256xf32>
    %get3A_220 = arith.constant 0 : index
    %get3A_221 = arith.constant 0 : index
    %get3A_222 = vector.load %arg9[%get3A_220, %get3A_221] : memref<1x256xf32, #tpu.memory_space<vmem>>, vector<1x256xf32>
    %add3A_223 = vector.broadcast %get3A_222 : vector<1x256xf32> to vector<32x256xf32>
    %add3A_224 = arith.addf %dot_general3A_219, %add3A_223 : vector<32x256xf32>
    %mul3A_225 = arith.mulf %add3A_157, %add3A_224 : vector<32x256xf32>
    %reduce_sum3A_226 = arith.constant dense<0.000000e+00> : vector<32xf32>
    %reduce_sum3A_227 = vector.multi_reduction <add>, %mul3A_225, %reduce_sum3A_226 [1] : vector<32x256xf32> to vector<32xf32>
    %broadcast_in_dim3A_228 = vector.shape_cast %reduce_sum3A_227 : vector<32xf32> to vector<32x1xf32>
    %mul3A_229 = arith.constant 6.250000e-02 : f32
    %mul3A_230 = vector.broadcast %mul3A_229 : f32 to vector<32x1xf32>
    %mul3A_231 = arith.mulf %broadcast_in_dim3A_228, %mul3A_230 : vector<32x1xf32>
    %get3A_232 = arith.constant 0 : index
    %get3A_233 = arith.constant 0 : index
    %get3A_234 = vector.load %arg8[%get3A_232, %get3A_233] : memref<128x256xf32, #tpu.memory_space<vmem>>, vector<128x256xf32>
    %dot_general3A_235 = arith.constant dense<0.000000e+00> : vector<32x256xf32>
    %dot_general3A_236 = tpu.matmul %get3A_177, %get3A_234, %dot_general3A_235 {dimension_numbers = #tpu.dot_dimension_numbers<[1], [0], [0], [1], [0, 0, 1, 1], [], []>, transpose_lhs_hint = false} : vector<32x128xf32>, vector<128x256xf32>, vector<32x256xf32> -> vector<32x256xf32>
    %get3A_237 = arith.constant 0 : index
    %get3A_238 = arith.constant 0 : index
    %get3A_239 = vector.load %arg9[%get3A_237, %get3A_238] : memref<1x256xf32, #tpu.memory_space<vmem>>, vector<1x256xf32>
    %add3A_240 = vector.broadcast %get3A_239 : vector<1x256xf32> to vector<32x256xf32>
    %add3A_241 = arith.addf %dot_general3A_236, %add3A_240 : vector<32x256xf32>
    %mul3A_242 = arith.mulf %add3A_157, %add3A_241 : vector<32x256xf32>
    %reduce_sum3A_243 = arith.constant dense<0.000000e+00> : vector<32xf32>
    %reduce_sum3A_244 = vector.multi_reduction <add>, %mul3A_242, %reduce_sum3A_243 [1] : vector<32x256xf32> to vector<32xf32>
    %broadcast_in_dim3A_245 = vector.shape_cast %reduce_sum3A_244 : vector<32xf32> to vector<32x1xf32>
    %mul3A_246 = arith.constant 6.250000e-02 : f32
    %mul3A_247 = vector.broadcast %mul3A_246 : f32 to vector<32x1xf32>
    %mul3A_248 = arith.mulf %broadcast_in_dim3A_245, %mul3A_247 : vector<32x1xf32>
    %get3A_249 = arith.constant 0 : index
    %get3A_250 = arith.constant 0 : index
    %get3A_251 = vector.load %arg8[%get3A_249, %get3A_250] : memref<128x256xf32, #tpu.memory_space<vmem>>, vector<128x256xf32>
    %dot_general3A_252 = arith.constant dense<0.000000e+00> : vector<32x256xf32>
    %dot_general3A_253 = tpu.matmul %get3A_182, %get3A_251, %dot_general3A_252 {dimension_numbers = #tpu.dot_dimension_numbers<[1], [0], [0], [1], [0, 0, 1, 1], [], []>, transpose_lhs_hint = false} : vector<32x128xf32>, vector<128x256xf32>, vector<32x256xf32> -> vector<32x256xf32>
    %get3A_254 = arith.constant 0 : index
    %get3A_255 = arith.constant 0 : index
    %get3A_256 = vector.load %arg9[%get3A_254, %get3A_255] : memref<1x256xf32, #tpu.memory_space<vmem>>, vector<1x256xf32>
    %add3A_257 = vector.broadcast %get3A_256 : vector<1x256xf32> to vector<32x256xf32>
    %add3A_258 = arith.addf %dot_general3A_253, %add3A_257 : vector<32x256xf32>
    %mul3A_259 = arith.mulf %add3A_157, %add3A_258 : vector<32x256xf32>
    %reduce_sum3A_260 = arith.constant dense<0.000000e+00> : vector<32xf32>
    %reduce_sum3A_261 = vector.multi_reduction <add>, %mul3A_259, %reduce_sum3A_260 [1] : vector<32x256xf32> to vector<32xf32>
    %broadcast_in_dim3A_262 = vector.shape_cast %reduce_sum3A_261 : vector<32xf32> to vector<32x1xf32>
    %mul3A_263 = arith.constant 6.250000e-02 : f32
    %mul3A_264 = vector.broadcast %mul3A_263 : f32 to vector<32x1xf32>
    %mul3A_265 = arith.mulf %broadcast_in_dim3A_262, %mul3A_264 : vector<32x1xf32>
    %max3A = arith.maximumf %mul3A_197, %mul3A_214 : vector<32x1xf32>
    %max3A_266 = arith.maximumf %max3A, %mul3A_231 : vector<32x1xf32>
    %max3A_267 = arith.maximumf %max3A_266, %mul3A_248 : vector<32x1xf32>
    %max3A_268 = arith.maximumf %max3A_267, %mul3A_265 : vector<32x1xf32>
    %sub3A = arith.subf %mul3A_197, %max3A_268 : vector<32x1xf32>
    %exp3A = math.exp %sub3A : vector<32x1xf32>
    %sub3A_269 = arith.subf %mul3A_214, %max3A_268 : vector<32x1xf32>
    %exp3A_270 = math.exp %sub3A_269 : vector<32x1xf32>
    %sub3A_271 = arith.subf %mul3A_231, %max3A_268 : vector<32x1xf32>
    %exp3A_272 = math.exp %sub3A_271 : vector<32x1xf32>
    %sub3A_273 = arith.subf %mul3A_248, %max3A_268 : vector<32x1xf32>
    %exp3A_274 = math.exp %sub3A_273 : vector<32x1xf32>
    %sub3A_275 = arith.subf %mul3A_265, %max3A_268 : vector<32x1xf32>
    %exp3A_276 = math.exp %sub3A_275 : vector<32x1xf32>
    %add3A_277 = arith.addf %exp3A, %exp3A_270 : vector<32x1xf32>
    %add3A_278 = arith.addf %add3A_277, %exp3A_272 : vector<32x1xf32>
    %add3A_279 = arith.addf %add3A_278, %exp3A_274 : vector<32x1xf32>
    %add3A_280 = arith.addf %add3A_279, %exp3A_276 : vector<32x1xf32>
    %div3A = arith.divf %exp3A, %add3A_280 : vector<32x1xf32>
    %div3A_281 = arith.divf %exp3A_270, %add3A_280 : vector<32x1xf32>
    %div3A_282 = arith.divf %exp3A_272, %add3A_280 : vector<32x1xf32>
    %div3A_283 = arith.divf %exp3A_274, %add3A_280 : vector<32x1xf32>
    %div3A_284 = arith.divf %exp3A_276, %add3A_280 : vector<32x1xf32>
    %broadcast_in_dim3A_285 = arith.constant 0.000000e+00 : f32
    %broadcast_in_dim3A_286 = vector.broadcast %broadcast_in_dim3A_285 : f32 to vector<32x256xf32>
    %get3A_287 = arith.constant 0 : index
    %get3A_288 = arith.constant 0 : index
    %get3A_289 = vector.load %arg10[%get3A_287, %get3A_288] : memref<128x256xf32, #tpu.memory_space<vmem>>, vector<128x256xf32>
    %dot_general3A_290 = arith.constant dense<0.000000e+00> : vector<32x256xf32>
    %dot_general3A_291 = tpu.matmul %get3A_162, %get3A_289, %dot_general3A_290 {dimension_numbers = #tpu.dot_dimension_numbers<[1], [0], [0], [1], [0, 0, 1, 1], [], []>, transpose_lhs_hint = false} : vector<32x128xf32>, vector<128x256xf32>, vector<32x256xf32> -> vector<32x256xf32>
    %get3A_292 = arith.constant 0 : index
    %get3A_293 = arith.constant 0 : index
    %get3A_294 = vector.load %arg11[%get3A_292, %get3A_293] : memref<1x256xf32, #tpu.memory_space<vmem>>, vector<1x256xf32>
    %add3A_295 = vector.broadcast %get3A_294 : vector<1x256xf32> to vector<32x256xf32>
    %add3A_296 = arith.addf %dot_general3A_291, %add3A_295 : vector<32x256xf32>
    %mul3A_297 = vector.broadcast %div3A : vector<32x1xf32> to vector<32x256xf32>
    %mul3A_298 = arith.mulf %mul3A_297, %add3A_296 : vector<32x256xf32>
    %add3A_299 = arith.addf %broadcast_in_dim3A_286, %mul3A_298 : vector<32x256xf32>
    %get3A_300 = arith.constant 0 : index
    %get3A_301 = arith.constant 0 : index
    %get3A_302 = vector.load %arg10[%get3A_300, %get3A_301] : memref<128x256xf32, #tpu.memory_space<vmem>>, vector<128x256xf32>
    %dot_general3A_303 = arith.constant dense<0.000000e+00> : vector<32x256xf32>
    %dot_general3A_304 = tpu.matmul %get3A_167, %get3A_302, %dot_general3A_303 {dimension_numbers = #tpu.dot_dimension_numbers<[1], [0], [0], [1], [0, 0, 1, 1], [], []>, transpose_lhs_hint = false} : vector<32x128xf32>, vector<128x256xf32>, vector<32x256xf32> -> vector<32x256xf32>
    %get3A_305 = arith.constant 0 : index
    %get3A_306 = arith.constant 0 : index
    %get3A_307 = vector.load %arg11[%get3A_305, %get3A_306] : memref<1x256xf32, #tpu.memory_space<vmem>>, vector<1x256xf32>
    %add3A_308 = vector.broadcast %get3A_307 : vector<1x256xf32> to vector<32x256xf32>
    %add3A_309 = arith.addf %dot_general3A_304, %add3A_308 : vector<32x256xf32>
    %mul3A_310 = vector.broadcast %div3A_281 : vector<32x1xf32> to vector<32x256xf32>
    %mul3A_311 = arith.mulf %mul3A_310, %add3A_309 : vector<32x256xf32>
    %add3A_312 = arith.addf %add3A_299, %mul3A_311 : vector<32x256xf32>
    %get3A_313 = arith.constant 0 : index
    %get3A_314 = arith.constant 0 : index
    %get3A_315 = vector.load %arg10[%get3A_313, %get3A_314] : memref<128x256xf32, #tpu.memory_space<vmem>>, vector<128x256xf32>
    %dot_general3A_316 = arith.constant dense<0.000000e+00> : vector<32x256xf32>
    %dot_general3A_317 = tpu.matmul %get3A_172, %get3A_315, %dot_general3A_316 {dimension_numbers = #tpu.dot_dimension_numbers<[1], [0], [0], [1], [0, 0, 1, 1], [], []>, transpose_lhs_hint = false} : vector<32x128xf32>, vector<128x256xf32>, vector<32x256xf32> -> vector<32x256xf32>
    %get3A_318 = arith.constant 0 : index
    %get3A_319 = arith.constant 0 : index
    %get3A_320 = vector.load %arg11[%get3A_318, %get3A_319] : memref<1x256xf32, #tpu.memory_space<vmem>>, vector<1x256xf32>
    %add3A_321 = vector.broadcast %get3A_320 : vector<1x256xf32> to vector<32x256xf32>
    %add3A_322 = arith.addf %dot_general3A_317, %add3A_321 : vector<32x256xf32>
    %mul3A_323 = vector.broadcast %div3A_282 : vector<32x1xf32> to vector<32x256xf32>
    %mul3A_324 = arith.mulf %mul3A_323, %add3A_322 : vector<32x256xf32>
    %add3A_325 = arith.addf %add3A_312, %mul3A_324 : vector<32x256xf32>
    %get3A_326 = arith.constant 0 : index
    %get3A_327 = arith.constant 0 : index
    %get3A_328 = vector.load %arg10[%get3A_326, %get3A_327] : memref<128x256xf32, #tpu.memory_space<vmem>>, vector<128x256xf32>
    %dot_general3A_329 = arith.constant dense<0.000000e+00> : vector<32x256xf32>
    %dot_general3A_330 = tpu.matmul %get3A_177, %get3A_328, %dot_general3A_329 {dimension_numbers = #tpu.dot_dimension_numbers<[1], [0], [0], [1], [0, 0, 1, 1], [], []>, transpose_lhs_hint = false} : vector<32x128xf32>, vector<128x256xf32>, vector<32x256xf32> -> vector<32x256xf32>
    %get3A_331 = arith.constant 0 : index
    %get3A_332 = arith.constant 0 : index
    %get3A_333 = vector.load %arg11[%get3A_331, %get3A_332] : memref<1x256xf32, #tpu.memory_space<vmem>>, vector<1x256xf32>
    %add3A_334 = vector.broadcast %get3A_333 : vector<1x256xf32> to vector<32x256xf32>
    %add3A_335 = arith.addf %dot_general3A_330, %add3A_334 : vector<32x256xf32>
    %mul3A_336 = vector.broadcast %div3A_283 : vector<32x1xf32> to vector<32x256xf32>
    %mul3A_337 = arith.mulf %mul3A_336, %add3A_335 : vector<32x256xf32>
    %add3A_338 = arith.addf %add3A_325, %mul3A_337 : vector<32x256xf32>
    %get3A_339 = arith.constant 0 : index
    %get3A_340 = arith.constant 0 : index
    %get3A_341 = vector.load %arg10[%get3A_339, %get3A_340] : memref<128x256xf32, #tpu.memory_space<vmem>>, vector<128x256xf32>
    %dot_general3A_342 = arith.constant dense<0.000000e+00> : vector<32x256xf32>
    %dot_general3A_343 = tpu.matmul %get3A_182, %get3A_341, %dot_general3A_342 {dimension_numbers = #tpu.dot_dimension_numbers<[1], [0], [0], [1], [0, 0, 1, 1], [], []>, transpose_lhs_hint = false} : vector<32x128xf32>, vector<128x256xf32>, vector<32x256xf32> -> vector<32x256xf32>
    %get3A_344 = arith.constant 0 : index
    %get3A_345 = arith.constant 0 : index
    %get3A_346 = vector.load %arg11[%get3A_344, %get3A_345] : memref<1x256xf32, #tpu.memory_space<vmem>>, vector<1x256xf32>
    %add3A_347 = vector.broadcast %get3A_346 : vector<1x256xf32> to vector<32x256xf32>
    %add3A_348 = arith.addf %dot_general3A_343, %add3A_347 : vector<32x256xf32>
    %mul3A_349 = vector.broadcast %div3A_284 : vector<32x1xf32> to vector<32x256xf32>
    %mul3A_350 = arith.mulf %mul3A_349, %add3A_348 : vector<32x256xf32>
    %add3A_351 = arith.addf %add3A_338, %mul3A_350 : vector<32x256xf32>
    %get3A_352 = arith.constant 0 : index
    %get3A_353 = arith.constant 0 : index
    %get3A_354 = vector.load %arg12[%get3A_352, %get3A_353] : memref<256x128xf32, #tpu.memory_space<vmem>>, vector<256x128xf32>
    %dot_general3A_355 = arith.constant dense<0.000000e+00> : vector<32x128xf32>
    %dot_general3A_356 = tpu.matmul %add3A_351, %get3A_354, %dot_general3A_355 {dimension_numbers = #tpu.dot_dimension_numbers<[1], [0], [0], [1], [0, 0, 1, 1], [], []>, transpose_lhs_hint = false} : vector<32x256xf32>, vector<256x128xf32>, vector<32x128xf32> -> vector<32x128xf32>
    %get3A_357 = arith.constant 0 : index
    %get3A_358 = arith.constant 0 : index
    %get3A_359 = vector.load %arg13[%get3A_357, %get3A_358] : memref<1x128xf32, #tpu.memory_space<vmem>>, vector<1x128xf32>
    %add3A_360 = vector.broadcast %get3A_359 : vector<1x128xf32> to vector<32x128xf32>
    %add3A_361 = arith.addf %dot_general3A_356, %add3A_360 : vector<32x128xf32>
    %reduce_sum3A_362 = arith.constant dense<0.000000e+00> : vector<128xf32>
    %reduce_sum3A_363 = vector.multi_reduction <add>, %add3A_361, %reduce_sum3A_362 [0] : vector<32x128xf32> to vector<128xf32>
    %broadcast_in_dim3A_364 = vector.shape_cast %reduce_sum3A_363 : vector<128xf32> to vector<1x128xf32>
    %div3A_365 = arith.constant 3.200000e+01 : f32
    %div3A_366 = vector.broadcast %div3A_365 : f32 to vector<1x128xf32>
    %div3A_367 = arith.divf %broadcast_in_dim3A_364, %div3A_366 : vector<1x128xf32>
    %broadcast_in_dim3A_368 = vector.shape_cast %div3A_367 : vector<1x128xf32> to vector<1x128xf32>
    %broadcast_in_dim3A_369 = vector.broadcast %broadcast_in_dim3A_368 : vector<1x128xf32> to vector<8x128xf32>
    %swap3A = arith.constant 0 : index
    %swap3A_370 = arith.constant 0 : index
    %swap3A_371 = arith.constant 0 : index
    %swap3A_372 = vector.load %arg14[%swap3A, %swap3A_370, %swap3A_371] : memref<1x8x128xf32, #tpu.memory_space<vmem>>, vector<1x8x128xf32>
    %swap3A_373 = vector.shape_cast %swap3A_372 : vector<1x8x128xf32> to vector<8x128xf32>
    %swap3A_374 = vector.shape_cast %broadcast_in_dim3A_369 : vector<8x128xf32> to vector<1x8x128xf32>
    tpu.vector_store %arg14[%swap3A, %swap3A_370, %swap3A_371], %swap3A_374 {strides = array<i32>} : memref<1x8x128xf32, #tpu.memory_space<vmem>>, vector<1x8x128xf32>,
    %iota3A = tpu.iota {dimensions = array<i32: 1>} : vector<32x8xi32>
    %broadcast_in_dim3A_375 = arith.constant 0.000000e+00 : f32
    %broadcast_in_dim3A_376 = vector.broadcast %broadcast_in_dim3A_375 : f32 to vector<32x8xf32>
    %eq3A = arith.constant 0 : i32
    %eq3A_377 = vector.broadcast %eq3A : i32 to vector<32x8xi32>
    %eq3A_378 = arith.cmpi eq, %iota3A, %eq3A_377 : vector<32x8xi32>
    %broadcast_in_dim3A_379 = vector.shape_cast %div3A : vector<32x1xf32> to vector<32x1xf32>
    %broadcast_in_dim3A_380 = vector.broadcast %broadcast_in_dim3A_379 : vector<32x1xf32> to vector<32x8xf32>
    %select_n3A = arith.select %eq3A_378, %broadcast_in_dim3A_380, %broadcast_in_dim3A_376 : vector<32x8xi1>, vector<32x8xf32>
    %eq3A_381 = arith.constant 1 : i32
    %eq3A_382 = vector.broadcast %eq3A_381 : i32 to vector<32x8xi32>
    %eq3A_383 = arith.cmpi eq, %iota3A, %eq3A_382 : vector<32x8xi32>
    %broadcast_in_dim3A_384 = vector.shape_cast %div3A_281 : vector<32x1xf32> to vector<32x1xf32>
    %broadcast_in_dim3A_385 = vector.broadcast %broadcast_in_dim3A_384 : vector<32x1xf32> to vector<32x8xf32>
    %select_n3A_386 = arith.select %eq3A_383, %broadcast_in_dim3A_385, %select_n3A : vector<32x8xi1>, vector<32x8xf32>
    %eq3A_387 = arith.constant 2 : i32
    %eq3A_388 = vector.broadcast %eq3A_387 : i32 to vector<32x8xi32>
    %eq3A_389 = arith.cmpi eq, %iota3A, %eq3A_388 : vector<32x8xi32>
    %broadcast_in_dim3A_390 = vector.shape_cast %div3A_282 : vector<32x1xf32> to vector<32x1xf32>
    %broadcast_in_dim3A_391 = vector.broadcast %broadcast_in_dim3A_390 : vector<32x1xf32> to vector<32x8xf32>
    %select_n3A_392 = arith.select %eq3A_389, %broadcast_in_dim3A_391, %select_n3A_386 : vector<32x8xi1>, vector<32x8xf32>
    %eq3A_393 = arith.constant 3 : i32
    %eq3A_394 = vector.broadcast %eq3A_393 : i32 to vector<32x8xi32>
    %eq3A_395 = arith.cmpi eq, %iota3A, %eq3A_394 : vector<32x8xi32>
    %broadcast_in_dim3A_396 = vector.shape_cast %div3A_283 : vector<32x1xf32> to vector<32x1xf32>
    %broadcast_in_dim3A_397 = vector.broadcast %broadcast_in_dim3A_396 : vector<32x1xf32> to vector<32x8xf32>
    %select_n3A_398 = arith.select %eq3A_395, %broadcast_in_dim3A_397, %select_n3A_392 : vector<32x8xi1>, vector<32x8xf32>
    %eq3A_399 = arith.constant 4 : i32
    %eq3A_400 = vector.broadcast %eq3A_399 : i32 to vector<32x8xi32>
    %eq3A_401 = arith.cmpi eq, %iota3A, %eq3A_400 : vector<32x8xi32>
    %broadcast_in_dim3A_402 = vector.shape_cast %div3A_284 : vector<32x1xf32> to vector<32x1xf32>
    %broadcast_in_dim3A_403 = vector.broadcast %broadcast_in_dim3A_402 : vector<32x1xf32> to vector<32x8xf32>
    %select_n3A_404 = arith.select %eq3A_401, %broadcast_in_dim3A_403, %select_n3A_398 : vector<32x8xi1>, vector<32x8xf32>
    %swap3A_405 = arith.constant 0 : index
    %swap3A_406 = arith.constant 0 : index
    %swap3A_407 = arith.constant 0 : index
    %swap3A_408 = vector.load %arg15[%swap3A_405, %swap3A_406, %swap3A_407] : memref<1x32x8xf32, #tpu.memory_space<vmem>>, vector<1x32x8xf32>
    %swap3A_409 = vector.shape_cast %swap3A_408 : vector<1x32x8xf32> to vector<32x8xf32>
    %swap3A_410 = vector.shape_cast %select_n3A_404 : vector<32x8xf32> to vector<1x32x8xf32>
    tpu.vector_store %arg15[%swap3A_405, %swap3A_406, %swap3A_407], %swap3A_410 {strides = array<i32>} : memref<1x32x8xf32, #tpu.memory_space<vmem>>, vector<1x32x8xf32>,
    return
  }
  func.func @transform_0(%arg0: i32) -> (i32, i32, i32) {
    %c0_i32 = arith.constant 0 : i32
    %c0_i32_0 = arith.constant 0 : i32
    %c0_i32_1 = arith.constant 0 : i32
    return %arg0, %c0_i32, %c0_i32_0 : i32, i32, i32
  }
  func.func @transform_1(%arg0: i32) -> (i32, i32) {
    %c0_i32 = arith.constant 0 : i32
    %c0_i32_0 = arith.constant 0 : i32
    %c0_i32_1 = arith.constant 0 : i32
    return %c0_i32, %c0_i32_0 : i32, i32
  }
  func.func @transform_2(%arg0: i32) -> (i32, i32) {
    %c0_i32 = arith.constant 0 : i32
    %c0_i32_0 = arith.constant 0 : i32
    %c0_i32_1 = arith.constant 0 : i32
    return %c0_i32, %c0_i32_0 : i32, i32
  }
  func.func @transform_3(%arg0: i32) -> (i32, i32) {
    %c0_i32 = arith.constant 0 : i32
    %c0_i32_0 = arith.constant 0 : i32
    %c0_i32_1 = arith.constant 0 : i32
    return %c0_i32, %c0_i32_0 : i32, i32
  }
  func.func @transform_4(%arg0: i32) -> (i32, i32) {
    %c0_i32 = arith.constant 0 : i32
    %c0_i32_0 = arith.constant 0 : i32
    %c0_i32_1 = arith.constant 0 : i32
    return %c0_i32, %c0_i32_0 : i32, i32
  }
  func.func @transform_5(%arg0: i32) -> (i32, i32) {
    %c0_i32 = arith.constant 0 : i32
    %c0_i32_0 = arith.constant 0 : i32
    %c0_i32_1 = arith.constant 0 : i32
    return %c0_i32, %c0_i32_0 : i32, i32
  }
  func.func @transform_6(%arg0: i32) -> (i32, i32) {
    %c0_i32 = arith.constant 0 : i32
    %c0_i32_0 = arith.constant 0 : i32
    %c0_i32_1 = arith.constant 0 : i32
    return %c0_i32, %c0_i32_0 : i32, i32
  }
  func.func @transform_7(%arg0: i32) -> (i32, i32) {
    %c0_i32 = arith.constant 0 : i32
    %c0_i32_0 = arith.constant 0 : i32
    %c0_i32_1 = arith.constant 0 : i32
    return %c0_i32, %c0_i32_0 : i32, i32
  }
  func.func @transform_8(%arg0: i32) -> (i32, i32) {
    %c0_i32 = arith.constant 0 : i32
    %c0_i32_0 = arith.constant 0 : i32
    %c0_i32_1 = arith.constant 0 : i32
    return %c0_i32, %c0_i32_0 : i32, i32
  }
  func.func @transform_9(%arg0: i32) -> (i32, i32) {
    %c0_i32 = arith.constant 0 : i32
    %c0_i32_0 = arith.constant 0 : i32
    %c0_i32_1 = arith.constant 0 : i32
    return %c0_i32, %c0_i32_0 : i32, i32
  }
  func.func @transform_10(%arg0: i32) -> (i32, i32) {
    %c0_i32 = arith.constant 0 : i32
    %c0_i32_0 = arith.constant 0 : i32
    %c0_i32_1 = arith.constant 0 : i32
    return %c0_i32, %c0_i32_0 : i32, i32
  }
  func.func @transform_11(%arg0: i32) -> (i32, i32) {
    %c0_i32 = arith.constant 0 : i32
    %c0_i32_0 = arith.constant 0 : i32
    %c0_i32_1 = arith.constant 0 : i32
    return %c0_i32, %c0_i32_0 : i32, i32
  }
  func.func @transform_12(%arg0: i32) -> (i32, i32) {
    %c0_i32 = arith.constant 0 : i32
    %c0_i32_0 = arith.constant 0 : i32
    %c0_i32_1 = arith.constant 0 : i32
    return %c0_i32, %c0_i32_0 : i32, i32
  }
  func.func @transform_13(%arg0: i32) -> (i32, i32, i32) {
    %c0_i32 = arith.constant 0 : i32
    %c0_i32_0 = arith.constant 0 : i32
    %c0_i32_1 = arith.constant 0 : i32
    return %arg0, %c0_i32, %c0_i32_0 : i32, i32, i32
  }
  func.func @transform_14(%arg0: i32) -> (i32, i32, i32) {
    %c0_i32 = arith.constant 0 : i32
    %c0_i32_0 = arith.constant 0 : i32
    %c0_i32_1 = arith.constant 0 : i32
    return %arg0, %c0_i32, %c0_i32_0 : i32, i32, i32
  }
}

</mosaic_0001>

<sc_bundles>
// kernel: kernel.7.cloned.1.call-start
scs
__scs_entry_jumppad:
0x0: {  	(pc) =	sbr.rel $0x88, $3  }
0x1: {  	(tag) =	ssettag $0x0;
	lr =	simm.s32 $0x1  }
0x2: {  	[smem:$0x3F93] =	sst lr;
	_ =	strace $0xD0000000  }
0x3: {  	_ = 	snop  }
0x4: {  	_ = 	snop  }
0x5: {  	_ = 	snop  }
0x6: {  	_ = 	snop  }
0x7: {  	_ = 	snop  }
__scs_overlays_trampoline_lowered:
0x8: {  	[smem:$0x3FA2] =	sst s0  }
0x9: {  	[smem:$0x3FA3] =	sst s1  }
0xa: {  	[smem:$0x3FA4] =	sst s2  }
0xb: {  	[smem:$0x3FA5] =	sst s3  }
0xc: {  	[smem:$0x3FA6] =	sst s4  }
0xd: {  	[smem:$0x3FA7] =	sst s5  }
0xe: {  	[smem:$0x3FA8] =	sst s6  }
0xf: {  	[smem:$0x3FA9] =	sst s7  }
0x10: {  	[smem:$0x3FAA] =	sst s8  }
0x11: {  	[smem:$0x3FAB] =	sst s9;
	s0 =	simm.s32 @!p0 $0x0  }
0x12: {  	s1 =	sld [smem:$0x3F91];
	s0 =	simm.s32 @p0 $0x1  }
0x13: {  	[smem:$0x3FAC] =	sst s0;
	s0 =	simm.s32 @!p1 $0x0  }
0x14: {  	s2 =	sld [smem:$0x3F90];
	s0 =	simm.s32 @p1 $0x1  }
0x15: {  	[smem:$0x3FAD] =	sst s0;
	s0 =	simm.s32 @!p2 $0x0  }
0x16: {  	s3 =	sld [smem:$0x3FDB];
	s0 =	simm.s32 @p2 $0x1  }
0x17: {  	s4 =	simm.s32 $0x1BF5;
	[smem:$0x3FAF] =	sst s0  }
0x18: {  	s0 =	sld [smem:$0x3F92];
	_ =	swait.ge [sflag:s4], $0x0  }
0x19: {  	s7 =	sld [smem:$0x3F93]  }
0x1a: {  	s8 =	sadd.s32 $0xFFFFE003, lr  }
0x1b: {  	s9 =	sadd.s32 $0xFFFFFEF7, lr;
	s5 =	simm.s32 $0xFFFFFFFF;
	p2 =	slt.u32 s8, $0xFFFFF086  }
0x1c: {  	p1 =	slt.u32 s9, $0xF7A;
	s5 =	simm.s32 @!p2 $0x0  }
0x1d: {  	s5 =	simm.s32 @p1 $0x1;
	p0 =	seq.s32 s7, s2  }
0x1e: {  	s7 =	smul.u32 @!p0 $0xF7A, s2;
	p2 =	seq.s32 @!p0 s5, $0x0  }
0x1f: {  	s9 =	smul.u32 $0xF7A, s1;
	s8 =	simm.s32 @!p0 $0x1BF5;
	p2 =	por !p2, p0  }
0x20: {  	[sflag:s8] =	ssyncset.s32 @!p0 $0xFFFFF086;
	s6 =	sadd.s32 @!p0 s3, s7;
	s7 =	simm.s32 @!p0 $0x108  }
0x21: {  	s3 =	sadd.s32 s3, s9;
	s6 =	sadd.s32 @!p0 $0x88, s6;
	s7 =	simm.s32 @p2 $0x1082  }
0x22: {  	[simem:s7], [sflag:s8] =	dma.local @!p0 [hbm:s6], $0xF7A  }
0x23: {  	s9 =	sor.u32 $0xD0000000, s2;
	s6 =	simm.s32 $0x108;
	_ =	swait.ge @!p0 [sflag:s8], $0x0  }
0x24: {  	s3 =	sadd.s32 $0x88, s3;
	s6 =	simm.s32 @!p1 $0x1082;
	[sflag:s4] =	ssyncset.s32 $0xFFFFF086  }
0x25: {  	[simem:s6], [sflag:s4] =	dma.local [hbm:s3], $0xF7A  }
0x26: {  	[smem:$0x3F93] =	sst s1;
	(tag) =	ssettag s2;
	_ =	strace s9  }
0x27: {  	s1 =	sld [smem:$0x3FA3]  }
0x28: {  	s2 =	sld [smem:$0x3FA4]  }
0x29: {  	s4 =	sld [smem:$0x3FA6]  }
0x2a: {  	p0 =	seq.s32 s5, $0x0;
	s5 =	sld [smem:$0x3FA7]  }
0x2b: {  	s6 =	sld [smem:$0x3FA8]  }
0x2c: {  	s7 =	sld [smem:$0x3FA9]  }
0x2d: {  	s3 =	simm.s32 $0x108;
	s8 =	sld [smem:$0x3FAA]  }
0x2e: {  	s3 =	simm.s32 @!p0 $0x1082;
	s9 =	sld [smem:$0x3FAB]  }
0x2f: {  	lr =	sadd.s32 s0, s3;
	s0 =	sld [smem:$0x3FA2]  }
0x30: {  	s3 =	sld [smem:$0x3FA5]  }
0x31: {  	[smem:$0x3FAE] =	sst s10  }
0x32: {  	s10 =	sld [smem:$0x3FAC];
	_ =	sdelay $0x3  }
0x33: {  	p0 =	seq.s32 s10, $0x1;
	s10 =	sld [smem:$0x3FAE];
	_ =	sdelay $0x3  }
0x34: {  	[smem:$0x3FAE] =	sst s10  }
0x35: {  	s10 =	sld [smem:$0x3FAD];
	_ =	sdelay $0x3  }
0x36: {  	p1 =	seq.s32 s10, $0x1;
	s10 =	sld [smem:$0x3FAE];
	_ =	sdelay $0x3  }
0x37: {  	[smem:$0x3FAE] =	sst s10  }
0x38: {  	s10 =	sld [smem:$0x3FAF]  }
0x39: {  	_ = 	snop;
	(pc) =	sbr.ind lr, $3  }
0x3a: {  	_ = 	snop  }
0x3b: {  	_ = 	snop  }
0x3c: {  	p2 =	seq.s32 s10, $0x1;
	s10 =	sld [smem:$0x3FAE]  }
0x3d: {  	_ =	shalt  }
0x3e: {  	_ =	shalt  }
0x3f: {  	_ =	shalt  }
0x40: {  	_ =	shalt  }
0x41: {  	_ =	shalt  }
0x42: {  	_ =	shalt  }
0x43: {  	_ =	shalt  }
0x44: {  	_ =	shalt  }
0x45: {  	_ =	shalt  }
0x46: {  	_ =	shalt  }
0x47: {  	_ =	shalt  }
0x48: {  	_ =	shalt  }
0x49: {  	_ =	shalt  }
0x4a: {  	_ =	shalt  }
0x4b: {  	_ =	shalt  }
0x4c: {  	_ =	shalt  }
0x4d: {  	_ =	shalt  }
0x4e: {  	_ =	shalt  }
0x4f: {  	_ =	shalt  }
0x50: {  	_ =	shalt  }
0x51: {  	_ =	shalt  }
0x52: {  	_ =	shalt  }
0x53: {  	_ =	shalt  }
0x54: {  	_ =	shalt  }
0x55: {  	_ =	shalt  }
0x56: {  	_ =	shalt  }
0x57: {  	_ =	shalt  }
0x58: {  	_ =	shalt  }
0x59: {  	_ =	shalt  }
0x5a: {  	_ =	shalt  }
0x5b: {  	_ =	shalt  }
0x5c: {  	_ =	shalt  }
0x5d: {  	_ =	shalt  }
0x5e: {  	_ =	shalt  }
0x5f: {  	_ =	shalt  }
0x60: {  	_ =	shalt  }
0x61: {  	_ =	shalt  }
0x62: {  	_ =	shalt  }
0x63: {  	_ =	shalt  }
0x64: {  	_ =	shalt  }
0x65: {  	_ =	shalt  }
0x66: {  	_ =	shalt  }
0x67: {  	_ =	shalt  }
0x68: {  	_ =	shalt  }
0x69: {  	_ =	shalt  }
0x6a: {  	_ =	shalt  }
0x6b: {  	_ =	shalt  }
0x6c: {  	_ =	shalt  }
0x6d: {  	_ =	shalt  }
0x6e: {  	_ =	shalt  }
0x6f: {  	_ =	shalt  }
0x70: {  	_ =	shalt  }
0x71: {  	_ =	shalt  }
0x72: {  	_ =	shalt  }
0x73: {  	_ =	shalt  }
0x74: {  	_ =	shalt  }
0x75: {  	_ =	shalt  }
0x76: {  	_ =	shalt  }
0x77: {  	_ =	shalt  }
0x78: {  	_ =	shalt  }
0x79: {  	_ =	shalt  }
0x7a: {  	_ =	shalt  }
0x7b: {  	_ =	shalt  }
0x7c: {  	_ =	shalt  }
0x7d: {  	_ =	shalt  }
0x7e: {  	_ =	shalt  }
0x7f: {  	_ =	shalt  }
0x80: {  	_ =	shalt  }
0x81: {  	_ =	shalt  }
0x82: {  	_ =	shalt  }
0x83: {  	_ =	shalt  }
0x84: {  	_ =	shalt  }
0x85: {  	_ =	shalt  }
0x86: {  	_ =	shalt  }
0x87: {  	_ =	shalt  }
.Lfunc_end0:
.L_simem_size_0:
called_computation_lowered:
.L_overlay_start_0:
0x88: {  	s2 =	sld [smem:$0x3FD9]  }
0x89: {  	s3 =	sld [smem:$0x3FFE];
	_ =	sdelay $0x1  }
0x8a: {  	s1 =	srdreg.scid  }
0x8b: {  	s0 =	sand.u32 $0x1, s1  }
0x8c: {  	s14 =	sshll.u32 s0, $0xA;
	s2 =	sadd.s32 s3, s2  }
0x8d: {  	s2 =	sadd.s32 s2, s14  }
0x8e: {  	[smem:$0x3FBA] =	sst s2  }
0x8f: {  	_ = 	snop  }
0x90: {  	s2 =	sld [smem:$0x3FD0];
	_ =	sdelay $0x2  }
0x91: {  	s4 =	simm.s32 $0xA;
	s5 =	simm.s32 $0x10;
	s15 =	sld [smem:$0x3FC9]  }
0x92: {  	[smem:s5], [sflag:s4] =	dma.local [hbm:s2], $0x1  }
0x93: {  	_ =	swait.eq [sflag:s4], $0x1  }
0x94: {  	[sflag:s4] =	ssyncset.done $0x0  }
0x95: {  	[sflag:s4] =	ssyncadd.s32 $0xFFFFFFFF  }
0x96: {  	s16 =	sld [smem:$0x11];
	(tm) =	ssettm $0x1  }
0x97: {  	s17 =	sld [smem:$0x3FFB];
	_ =	sdelay $0x3  }
0x98: {  	_ =	strace s17  }
0x99: {  	s4 =	sld [smem:$0x3FFC];
	_ =	sdelay $0x3  }
0x9a: {  	_ =	strace s4  }
0x9b: {  	s4 =	sld [smem:$0x3FFD];
	_ =	sdelay $0x3  }
0x9c: {  	_ =	strace s4  }
0x9d: {  	_ =	strace $0x8FFFFFFF  }
0x9e: {  	s18 =	sld [smem:$0x3FDB];
	_ =	sdelay $0x1  }
0x9f: {  	s19 =	simm.s32 $_scs_section_size  }
0xa0: {  	s6 =	simm.s32 $_size__tile_overlayer_lowered;
	s7 =	simm.s32 $_tile_overlayer_lowered  }
0xa1: {  	s22 =	simm.s32 $0x1BFF;
	s21 =	sshll.u32 s7, $0x1;
	s4 =	sadd.s32 s19, s18  }
0xa2: {  	s8 =	simm.s32 $0x0;
	s20 =	sshll.u32 s6, $0x1;
	s6 =	sadd.s32 s21, s4  }
0xa3: {  	[timem:s8], [sflag:s22] =	dma.local [hbm:s6], s20  }
0xa4: {  	_ =	swait.ge [sflag:s22], s20  }
0xa5: {  	s5 =	ssub.s32 $0x0, s20;
	[sflag:s22] =	ssyncset.done $0x0  }
0xa6: {  	[sflag:s22] =	ssyncadd.s32 s5;
	_ =	sdelay $0x1  }
0xa7: {  	s23 =	simm.s32 $0x1B8B  }
0xa8: {  	_ =	swait.ge [sflag:s23], $0x1  }
0xa9: {  	[sflag:s23] =	ssyncset.done $0x0  }
0xaa: {  	s25 =	simm.s32 $0x1B8E;
	s24 =	sld [smem:$0x3FFE];
	[sflag:s23] =	ssyncadd.s32 $0xFFFFFFFF  }
0xab: {  	s26 =	simm.s32 $execute0_lowered;
	[smem:$0x3FD2] =	sst s25  }
0xac: {  	s6 =	sshll.u32 s26, $0x1;
	_ =	strace $0x80000046;
	[dreg:$0x1] =	wrdreg $0xFFFFFFFF  }
0xad: {  	s28 =	simm.s32 $_size_execute0_lowered;
	s4 =	sadd.s32 s4, s6;
	[dreg:$0x0] =	wrdreg $0x0  }
0xae: {  	s6 =	sshll.u32 s28, $0x1;
	[dreg:$0x2] =	wrdreg s4  }
0xaf: {  	[dreg:$0x3] =	wrdreg s6  }
0xb0: {  	[dreg:$0x4] =	wrdreg $0xC0  }
0xb1: {  	_ =	task [dreg:s8], $0x5FFFF  }
0xb2: {  	[dreg:$0x1] =	wrdreg $0xFFFFFFFF  }
0xb3: {  	[dreg:$0x0] =	wrdreg $0x60  }
0xb4: {  	[dreg:$0x2] =	wrdreg s15  }
0xb5: {  	[dreg:$0x3] =	wrdreg s16  }
0xb6: {  	[dreg:$0x4] =	wrdreg s24  }
0xb7: {  	[dreg:$0x5] =	wrdreg $0x9  }
0xb8: {  	_ =	task.clear_ibuf [dreg:s8], $0x6FFFF;
	_ =	strace $0x90000046  }
0xb9: {  	s29 =	simm.s32 $0x9;
	_ =	strace $0x80000048  }
0xba: {  	_ =	swait.ge [sflag:s29], $0x1  }
0xbb: {  	[sflag:s29] =	ssyncadd.s32 $0xFFFFFFFF  }
0xbc: {  	_ =	strace $0x90000048  }
0xbd: {  	_ =	sfence  }
0xbe: {  	s30 =	sld [smem:$0x0];
	_ =	sdelay $0x2  }
0xbf: {  	s31 =	sshll.u32 s1, $0xD;
	s1 =	sshrl.u32 s1, $0x2  }
0xc0: {  	s3 =	sand.u32 $0x4000, s31;
	s1 =	sadd.s32 s1, s30  }
0xc1: {  	s0 =	sor.u32 s3, s0;
	s1 =	sshll.u32 s1, $0x11  }
0xc2: {  	s0 =	sor.u32 s1, s0  }
0xc3: {  	s0 =	sadd.s32 $0x8F2B, s0  }
0xc4: {  	[sflag:s0] =	ssyncadd.remote.s32 $0x1  }
0xc5: {  	_ =	sfence.sel $0xFFFF  }
0xc6: {  	[dreg:$0x0] =	wrdreg $0xFFFFFFFF;
	(pc) =	sbr.abs _section_cstart, $3  }
0xc7: {  	[dreg:$0x1] =	wrdreg $0xFFFFFFFF  }
0xc8: {  	_ =	task.clear_ibuf [dreg:s8], $0x2FFFF;
	_ =	strace $0x9FFFFFFF  }
0xc9: {  	(tm) =	ssettm $0x7FFFFFFF  }
tec
execute0_lowered:
.L_overlay_start_1:
0x0: {  	(tag) =	ssettag $0x1  }
0x1: {  	s1 =	rddreg [dreg:$0x0];
	s2 =	srdreg.scid  }
0x2: {  	s4 =	rddreg [dreg:$0x1];
	s0 =	stileid.u32  }
0x3: {  	s9 =	rddreg [dreg:$0x2];
	s3 =	simm.s32 $0x0;
	s6 =	sand.u32 $0x1, s2  }
0x4: {  	s5 =	sshll.u32 s0, $0x6;
	s2 =	rddreg [dreg:$0x3];
	s7 =	sshll.u32 s6, $0x5  }
0x5: {  	s8 =	simm.s32 $0x1;
	[smem:$0x7FF] =	sst s3;
	s10 =	sor.u32 s7, s5  }
0x6: {  	_ =	strace $0x80000047;
	s11 =	ssub.s32 $0x2, s6;
	s5 =	sshrl.u32 s10, $0x3  }
0x7: {  	s6 =	simm.s32 $0x20;
	s5 =	sadd.s32 s4, s5;
	s4 =	simm.s32 $0x2  }
0x8: {  	[tilespmem:s3], [sflag:$0x2] =	stream.linear.gather [hbm4b:s5+s3], $0x20, $0x38;
	[tilespmem:$0x1080] =	vst v63  }
0x9: {  	s7 =	simm.s32 $0x80;
	s12 =	sshrl.u32 s11, $0x1;
	_ =	swait.ge [sflag:s4], $0x20  }
0xa: {  	s10 =	sshll.u32 s10, $0x4;
	s31 =	ssub.s32 s11, s12;
	[sflag:s4] =	ssyncset.done $0x0  }
0xb: {  	s9 =	sadd.s32 s10, s9;
	s10 =	smax.u32 s31, $0x1;
	[sflag:s4] =	ssyncadd.s32 $0xFFFFFFE0  }
0xc: {  	[tilespmem:s7], [sflag:$0x1] =	stream.indirect.gather [hbm4b:s1+s6], $0x80, s3, s6, $0xb8;
	[tilespmem:$0x1080] =	vst v63  }
0xd: {  	p0 =	sne.s32 s10, $0x1;
	_ =	swait.ge [sflag:s8], $0x1000  }
.Ltmp0:
0xe: {  	[sflag:s8] =	ssyncset.done $0x0;
	(pc) =	sbr.rel @!p0 .LBB2_2-.Ltmp0, $4  }
0xf: {  	s9 =	sadd.s32 $0x2C00, s9;
	[sflag:s8] =	ssyncadd.s32 $0xFFFFF000  }
0x10: {  	[hbm4b:s9+s3] =	stream.linear.scatter [tilespmem:s7], [sflag:$0x2], $0x1000, $0x38;
	[tilespmem:$0x1080] =	vst v63  }
0x11: {  	_ =	swait.ge [sflag:s4], $0x1000  }
0x12: {  	s10 =	sadd.s32 $0xFFFFFFFF, s10;
	[sflag:s4] =	ssyncset.done $0x0  }
.LBB2_1:
0x13: {  	p0 =	sne.s32 s10, $0x1;
	s10 =	sadd.s32 $0xFFFFFFFF, s10;
	[sflag:s4] =	ssyncadd.s32 $0xFFFFF000  }
0x14: {  	[tilespmem:s3], [sflag:$0x2] =	stream.linear.gather [hbm4b:s5+s3], $0x20, $0x38;
	[tilespmem:$0x1080] =	vst v63  }
0x15: {  	_ =	swait.ge [sflag:s4], $0x20  }
0x16: {  	[sflag:s4] =	ssyncset.done $0x0  }
0x17: {  	[sflag:s4] =	ssyncadd.s32 $0xFFFFFFE0  }
0x18: {  	[tilespmem:s7], [sflag:$0x1] =	stream.indirect.gather [hbm4b:s1+s6], $0x80, s3, s6, $0xb8;
	[tilespmem:$0x1080] =	vst v63  }
0x19: {  	_ =	swait.ge [sflag:s8], $0x1000  }
.Ltmp1:
0x1a: {  	[sflag:s8] =	ssyncset.done $0x0;
	(pc) =	sbr.rel @p0 .LBB2_1-.Ltmp1, $4  }
0x1b: {  	[sflag:s8] =	ssyncadd.s32 $0xFFFFF000  }
0x1c: {  	[hbm4b:s9+s3] =	stream.linear.scatter [tilespmem:s7], [sflag:$0x2], $0x1000, $0x38;
	[tilespmem:$0x1080] =	vst v63  }
0x1d: {  	_ =	swait.ge [sflag:s4], $0x1000  }
0x1e: {  	[sflag:s4] =	ssyncset.done $0x0  }
.LBB2_2:
0x1f: {  	[sflag:s4] =	ssyncadd.s32 $0xFFFFF000  }
0x20: {  	_ =	sfence.sel $0x180000  }
0x21: {  	[bflag:$0x0] =	sbarrier.arrive $0xFFFF  }
0x22: {  	p0 =	sne.s32 s0, $0x0;
	_ =	strace $0x90000047  }
0x23: {  	s0 =	sadd.s32 @!p0 $0x100000, s2;
	[bflag:$0x2] =	sbarrier.arrive $0xFFFF  }
0x24: {  	[sflag:s0] =	ssyncadd.tile.s32 @!p0 $0x1;
	_ =	shalt  }
.Lfunc_end2:
_tile_overlayer_lowered:
.L_overlay_start_2:
0x25: {  	(tag) =	ssettag $0x2  }
0x26: {  	s0 =	rddreg [dreg:$0x0];
	s2 =	stileid.u32  }
0x27: {  	s1 =	rddreg [dreg:$0x1];
	p0 =	sne.s32 s2, $0x0  }
0x28: {  	s3 =	rddreg [dreg:$0x2];
	[bflag:$0x3] =	sbarrier.arrive $0xFFFF;
	s2 =	simm.s32 @!p0 $0x1C02  }
0x29: {  	[timem:s3], [sflag:s2] =	dma.local @!p0 [hbm:s0], s1  }
0x2a: {  	s0 =	simm.s32 @!p0 $0x2  }
0x2b: {  	_ =	swait.ge @!p0 [sflag:s0], s1  }
0x2c: {  	s1 =	ssub.s32 @!p0 $0x0, s1;
	[sflag:s0] =	ssyncset.done @!p0 $0x0  }
0x2d: {  	[sflag:s0] =	ssyncadd.s32 @!p0 s1  }
0x2e: {  	[bflag:$0x3] =	sbarrier.arrive $0xFFFF  }
0x2f: {  	_ =	shalt  }

</sc_bundles>
